<compile_context>
chip_gen: v7x
topology: tpu7x:2x2x1
jax: 0.10.2.dev20260603
libtpu: 0.0.44.dev20260713+nightly
codegen_flags: <defaults>
</compile_context>

<pallas_src>
import functools

import jax
import jax.numpy as jnp
from jax import lax
from jax.experimental import pallas as pl
from jax.experimental.pallas import tpu as pltpu
from jax.experimental.pallas import tpu_sc as plsc

B = 16384
F = 26
V = 100000
D = 32
NUM = 13

NC = 2
NS = 16
NW = NC * NS
ROWS = F * D
QB = B // 4


def _gather_body(tab_ref, xcat_ref, feats_ref, idx_v, row_v, out0, out1,
                 sem0, sem1):
    wid = lax.axis_index("s") * NC + lax.axis_index("c")
    is2 = wid < 12
    f = jnp.where(is2, wid // 2, wid - 6)
    d0 = jnp.where(is2, (wid % 2) * 16, 0)
    nd = jnp.where(is2, 16, 32)

    pltpu.sync_copy(xcat_ref.at[f], idx_v)

    outs = (out0, out1)
    sems = (sem0, sem1)

    def do_row(r, _):
        d = d0 + r
        pltpu.sync_copy(tab_ref.at[f, d, :], row_v)

        for q in range(4):
            ob = outs[q % 2]
            sm = sems[q % 2]
            base = q * QB

            if q >= 2:
                pltpu.make_async_copy(
                    tab_ref.at[f, d, pl.ds(0, QB)], ob, sm).wait()
            else:
                @pl.when(r > 0)
                def _drain():
                    pltpu.make_async_copy(
                        tab_ref.at[f, d, pl.ds(0, QB)], ob, sm).wait()

            @plsc.parallel_loop(0, QB, 16, unroll=8)
            def _gather(i):
                ob[pl.ds(i, 16)] = plsc.load_gather(
                    row_v, [idx_v[pl.ds(base + i, 16)]])

            pltpu.async_copy(ob, feats_ref.at[f * D + d, pl.ds(base, QB)], sm)

        return _

    lax.fori_loop(0, nd, do_row, 0, unroll=False)

    pltpu.make_async_copy(tab_ref.at[f, d0, pl.ds(0, QB)], out0, sem0).wait()
    pltpu.make_async_copy(tab_ref.at[f, d0, pl.ds(0, QB)], out1, sem1).wait()


_gather = functools.partial(
    pl.kernel,
    out_type=jax.ShapeDtypeStruct((ROWS, B), jnp.float32),
    mesh=plsc.VectorSubcoreMesh(core_axis_name="c", subcore_axis_name="s"),
    compiler_params=pltpu.CompilerParams(needs_layout_passes=False),
    scratch_types=[
        pltpu.VMEM((B,), jnp.int32),
        pltpu.VMEM((V,), jnp.float32),
        pltpu.VMEM((QB,), jnp.float32),
        pltpu.VMEM((QB,), jnp.float32),
        pltpu.SemaphoreType.DMA,
        pltpu.SemaphoreType.DMA,
    ],
)(_gather_body)


def _mlp_body(f_ref, xn_ref, w1c_ref, w1n_ref, b1_ref, w2_ref, b2_ref,
              w3_ref, b3_ref, o_ref):
    h = jnp.dot(w1c_ref[...], f_ref[...], preferred_element_type=jnp.float32)
    h += jnp.dot(w1n_ref[...], xn_ref[...], preferred_element_type=jnp.float32)
    h = jnp.maximum(h + b1_ref[...], 0.0)
    h = jnp.maximum(
        jnp.dot(w2_ref[...], h, preferred_element_type=jnp.float32) + b2_ref[...],
        0.0,
    )
    o_ref[...] = (
        jnp.dot(w3_ref[...], h, preferred_element_type=jnp.float32) + b3_ref[...]
    )


BT = 2048


def _mlp(featsT, x_numT, w1cT, w1nT, b1, w2T, b2, w3T, b3):
    grid = (B // BT,)
    return pl.pallas_call(
        _mlp_body,
        grid=grid,
        in_specs=[
            pl.BlockSpec((ROWS, BT), lambda i: (0, i)),
            pl.BlockSpec((NUM, BT), lambda i: (0, i)),
            pl.BlockSpec((128, ROWS), lambda i: (0, 0)),
            pl.BlockSpec((128, NUM), lambda i: (0, 0)),
            pl.BlockSpec((128, 1), lambda i: (0, 0)),
            pl.BlockSpec((64, 128), lambda i: (0, 0)),
            pl.BlockSpec((64, 1), lambda i: (0, 0)),
            pl.BlockSpec((1, 64), lambda i: (0, 0)),
            pl.BlockSpec((1, 1), lambda i: (0, 0)),
        ],
        out_specs=pl.BlockSpec((1, BT), lambda i: (0, i)),
        out_shape=jax.ShapeDtypeStruct((1, B), jnp.float32),
    )(featsT, x_numT, w1cT, w1nT, b1, w2T, b2, w3T, b3)


def kernel(x_cat, x_num, tables, W1, b1, W2, b2, W3, b3):
    tabT = tables.transpose(0, 2, 1)
    xcatT = x_cat.T
    featsT = _gather(tabT, xcatT)
    out = _mlp(featsT, x_num.T, W1[: F * D].T, W1[F * D:].T,
               b1.reshape(128, 1), W2.T, b2.reshape(64, 1), W3.T,
               b3.reshape(1, 1))
    return out[0]

# --- scband reference (transcript-rebuilt; emitter-appended) ---
"""Pipeline reference for scband-mlpbaseline-11776800326202 (READ-ONLY COPY).

The authoritative reference and input builder live on the scoring server;
editing this copy changes nothing except your own understanding.
"""

import jax, jax.numpy as jnp
import numpy as np

B = 16384
F = 26
V = 100000
D = 32
NUM = 13
IN_DIM = F * D + NUM  # 845


def setup_inputs(seed: int = 0) -> dict:
    key = jax.random.key(seed)
    ks = jax.random.split(key, 10)
    x_cat = jax.random.randint(ks[0], (B, F), 0, V, dtype=jnp.int32)
    x_num = jax.random.normal(ks[1], (B, NUM), dtype=jnp.float32)
    # Learned parameters: 26 embedding tables (stacked, equal cardinality) + 3-layer MLP
    tables = jax.random.normal(ks[2], (F, V, D), dtype=jnp.float32) * 0.01
    W1 = jax.random.normal(ks[3], (IN_DIM, 128), dtype=jnp.float32) * 0.02
    b1 = jnp.zeros((128,), dtype=jnp.float32)
    W2 = jax.random.normal(ks[4], (128, 64), dtype=jnp.float32) * 0.05
    b2 = jnp.zeros((64,), dtype=jnp.float32)
    W3 = jax.random.normal(ks[5], (64, 1), dtype=jnp.float32) * 0.05
    b3 = jnp.zeros((1,), dtype=jnp.float32)
    return {"x_cat": x_cat, "x_num": x_num, "tables": tables,
            "W1": W1, "b1": b1, "W2": W2, "b2": b2, "W3": W3, "b3": b3}


def reference(x_cat, x_num, tables, W1, b1, W2, b2, W3, b3):
    # Per-field embedding lookup: tables[f, x_cat[:, f]] -> [B, F, D]
    field_ids = jnp.arange(F)[None, :]
    emb = tables[field_ids, x_cat]  # gather, [B, F, D]
    cat_features = emb.reshape(x_cat.shape[0], F * D)
    features = jnp.concatenate([cat_features, x_num], axis=1)
    # classifier (dropout is identity in eval mode)
    h = jax.nn.relu(features @ W1 + b1)
    h = jax.nn.relu(h @ W2 + b2)
    out = (h @ W3 + b3)
    return out.squeeze(1)

if __name__ == "__main__":
    import jax
    _d = setup_inputs()
    print(jax.jit(kernel)(*tuple(_d.values())))

</pallas_src>

<mosaic_0001>
#map = affine_map<(d0, d1) -> (0, 0, 0)>
#map1 = affine_map<(d0, d1) -> (0, 0)>
module attributes {stable_mosaic.version = 14 : i64} {
  func.func @_gather_body(%arg0: i32, %arg1: i32, %arg2: memref<26x32x100000xf32, #tpu.memory_space<hbm>>, %arg3: memref<26x16384xi32, #tpu.memory_space<hbm>>, %arg4: memref<832x16384xf32, #tpu.memory_space<hbm>>, %arg5: memref<16384xi32, #tpu.memory_space<vmem>>, %arg6: memref<100000xf32, #tpu.memory_space<vmem>>, %arg7: memref<4096xf32, #tpu.memory_space<vmem>>, %arg8: memref<4096xf32, #tpu.memory_space<vmem>>, %arg9: memref<!tpu.dma_semaphore, #tpu.memory_space<semaphore_mem>>, %arg10: memref<!tpu.dma_semaphore, #tpu.memory_space<semaphore_mem>>) attributes {dimension_semantics = [#tpu.dimension_semantics<core_parallel>, #tpu.dimension_semantics<subcore_parallel>], iteration_bounds = array<i64: 2, 16>, scalar_prefetch = 0 : i64, scratch_operands = 6 : i64, tpu.core_type = #tpu.core_type<sc_vector_subcore>, window_params = [{transform_indices = #map}, {transform_indices = #map1}, {transform_indices = #map1}]} {
    %mul3A = arith.constant 2 : i32
    %mul3A_0 = arith.muli %arg1, %mul3A : i32
    %add3A = arith.addi %mul3A_0, %arg0 : i32
    %lt3A = arith.constant 12 : i32
    %lt3A_1 = arith.cmpi slt, %add3A, %lt3A : i32
    %jit3A = arith.constant 2 : i32
    %div3A = arith.divsi %add3A, %jit3A : i32
    %sign3A = arith.constant 0 : i32
    %sign3A_2 = arith.cmpi sgt, %add3A, %sign3A : i32
    %sign3A_3 = arith.extui %sign3A_2 : i1 to i32
    %sign3A_4 = arith.constant 0 : i32
    %sign3A_5 = arith.cmpi slt, %add3A, %sign3A_4 : i32
    %sign3A_6 = arith.extui %sign3A_5 : i1 to i32
    %sign3A_7 = arith.subi %sign3A_3, %sign3A_6 : i32
    %sign3A_8 = arith.constant 0 : i32
    %sign3A_9 = arith.cmpi sgt, %jit3A, %sign3A_8 : i32
    %sign3A_10 = arith.extui %sign3A_9 : i1 to i32
    %sign3A_11 = arith.constant 0 : i32
    %sign3A_12 = arith.cmpi slt, %jit3A, %sign3A_11 : i32
    %sign3A_13 = arith.extui %sign3A_12 : i1 to i32
    %sign3A_14 = arith.subi %sign3A_10, %sign3A_13 : i32
    %ne3A = arith.cmpi ne, %sign3A_7, %sign3A_14 : i32
    %rem3A = arith.remsi %add3A, %jit3A : i32
    %ne3A_15 = arith.constant 0 : i32
    %ne3A_16 = arith.cmpi ne, %rem3A, %ne3A_15 : i32
    %and3A = arith.andi %ne3A, %ne3A_16 : i1
    %sub3A = arith.constant 1 : i32
    %sub3A_17 = arith.subi %div3A, %sub3A : i32
    %select_n3A = arith.select %and3A, %sub3A_17, %div3A : i32
    %sub3A_18 = arith.constant 6 : i32
    %sub3A_19 = arith.subi %add3A, %sub3A_18 : i32
    %select_n3A_20 = arith.select %lt3A_1, %select_n3A, %sub3A_19 : i32
    %jit3A_21 = arith.constant 2 : i32
    %eq3A = arith.constant 0 : i32
    %eq3A_22 = arith.cmpi eq, %jit3A_21, %eq3A : i32
    %jit3A_23 = arith.constant 1 : i32
    %select_n3A_24 = arith.select %eq3A_22, %jit3A_23, %jit3A_21 : i32
    %rem3A_25 = arith.remsi %add3A, %select_n3A_24 : i32
    %ne3A_26 = arith.constant 0 : i32
    %ne3A_27 = arith.cmpi ne, %rem3A_25, %ne3A_26 : i32
    %lt3A_28 = arith.constant 0 : i32
    %lt3A_29 = arith.cmpi slt, %rem3A_25, %lt3A_28 : i32
    %lt3A_30 = arith.constant 0 : i32
    %lt3A_31 = arith.cmpi slt, %select_n3A_24, %lt3A_30 : i32
    %ne3A_32 = arith.xori %lt3A_29, %lt3A_31 : i1
    %and3A_33 = arith.andi %ne3A_32, %ne3A_27 : i1
    %add3A_34 = arith.addi %rem3A_25, %select_n3A_24 : i32
    %select_n3A_35 = arith.select %and3A_33, %add3A_34, %rem3A_25 : i32
    %mul3A_36 = arith.constant 16 : i32
    %mul3A_37 = arith.muli %select_n3A_35, %mul3A_36 : i32
    %jit3A_38 = arith.constant 0 : i32
    %select_n3A_39 = arith.select %lt3A_1, %mul3A_37, %jit3A_38 : i32
    %jit3A_40 = arith.constant 16 : i32
    %jit3A_41 = arith.constant 32 : i32
    %select_n3A_42 = arith.select %lt3A_1, %jit3A_40, %jit3A_41 : i32
    "tpu.region"() ({
      %run_scoped3A = tpu.sem_alloc : memref<!tpu.dma_semaphore, #tpu.memory_space<semaphore_mem>>
      %dma_start3A = arith.constant 0 : i32
      %dma_start3A_63 = tpu.memref_slice %arg3[%select_n3A_20, %dma_start3A] : memref<26x16384xi32, #tpu.memory_space<hbm>> -> memref<1x16384xi32, #tpu.memory_space<hbm>>
      %dma_start3A_64 = tpu.memref_squeeze %dma_start3A_63 : memref<1x16384xi32, #tpu.memory_space<hbm>> -> memref<16384xi32, #tpu.memory_space<hbm>>
      %dma_start3A_65 = arith.constant 0 : i32
      %dma_start3A_66 = tpu.memref_slice %arg3[%select_n3A_20, %dma_start3A_65] : memref<26x16384xi32, #tpu.memory_space<hbm>> -> memref<1x16384xi32, #tpu.memory_space<hbm>>
      %dma_start3A_67 = tpu.memref_squeeze %dma_start3A_66 : memref<1x16384xi32, #tpu.memory_space<hbm>> -> memref<16384xi32, #tpu.memory_space<hbm>>
      tpu.enqueue_dma source(%dma_start3A_67 : memref<16384xi32, #tpu.memory_space<hbm>>) target(%arg5 : memref<16384xi32, #tpu.memory_space<vmem>>) target_semaphore(%run_scoped3A : memref<!tpu.dma_semaphore, #tpu.memory_space<semaphore_mem>>)
      %dma_wait3A_68 = arith.constant 0 : i32
      %dma_wait3A_69 = tpu.memref_slice %arg3[%select_n3A_20, %dma_wait3A_68] : memref<26x16384xi32, #tpu.memory_space<hbm>> -> memref<1x16384xi32, #tpu.memory_space<hbm>>
      %dma_wait3A_70 = tpu.memref_squeeze %dma_wait3A_69 : memref<1x16384xi32, #tpu.memory_space<hbm>> -> memref<16384xi32, #tpu.memory_space<hbm>>
      %dma_wait3A_71 = arith.constant 0 : i32
      %dma_wait3A_72 = tpu.memref_slice %arg3[%select_n3A_20, %dma_wait3A_71] : memref<26x16384xi32, #tpu.memory_space<hbm>> -> memref<1x16384xi32, #tpu.memory_space<hbm>>
      %dma_wait3A_73 = tpu.memref_squeeze %dma_wait3A_72 : memref<1x16384xi32, #tpu.memory_space<hbm>> -> memref<16384xi32, #tpu.memory_space<hbm>>
      tpu.wait_dma2 semaphore(%run_scoped3A : memref<!tpu.dma_semaphore, #tpu.memory_space<semaphore_mem>>) src(%dma_wait3A_73 : memref<16384xi32, #tpu.memory_space<hbm>>) dst(%arg5 : memref<16384xi32, #tpu.memory_space<vmem>>)
      tpu.yield
    }) : () -> ()
    %while3A = arith.constant 0 : i32
    %while3A_43 = arith.constant 0 : i32
    %while3A_44 = arith.subi %select_n3A_42, %while3A_43 : i32
    %while3A_45 = arith.addi %while3A_43, %while3A_44 : i32
    %while3A_46 = arith.constant 1 : i32
    %while3A_47 = arith.divsi %while3A_44, %while3A_46 : i32
    %while3A_48 = arith.muli %while3A_47, %while3A_46 : i32
    %while3A_49 = arith.addi %while3A_43, %while3A_48 : i32
    %while3A_50 = arith.constant 1 : i32
    scf.for %while3A_63 = %while3A_43 to %while3A_49 step %while3A_50  : i32 {
      %add3A_64 = arith.addi %select_n3A_39, %while3A_63 : i32
      "tpu.region"() ({
        %run_scoped3A = tpu.sem_alloc : memref<!tpu.dma_semaphore, #tpu.memory_space<semaphore_mem>>
        %dma_start3A_130 = arith.constant 0 : i32
        %dma_start3A_131 = tpu.memref_slice %arg2[%select_n3A_20, %add3A_64, %dma_start3A_130] : memref<26x32x100000xf32, #tpu.memory_space<hbm>> -> memref<1x1x100000xf32, #tpu.memory_space<hbm>>
        %dma_start3A_132 = tpu.memref_squeeze %dma_start3A_131 : memref<1x1x100000xf32, #tpu.memory_space<hbm>> -> memref<100000xf32, #tpu.memory_space<hbm>>
        %dma_start3A_133 = arith.constant 0 : i32
        %dma_start3A_134 = tpu.memref_slice %arg2[%select_n3A_20, %add3A_64, %dma_start3A_133] : memref<26x32x100000xf32, #tpu.memory_space<hbm>> -> memref<1x1x100000xf32, #tpu.memory_space<hbm>>
        %dma_start3A_135 = tpu.memref_squeeze %dma_start3A_134 : memref<1x1x100000xf32, #tpu.memory_space<hbm>> -> memref<100000xf32, #tpu.memory_space<hbm>>
        tpu.enqueue_dma source(%dma_start3A_135 : memref<100000xf32, #tpu.memory_space<hbm>>) target(%arg6 : memref<100000xf32, #tpu.memory_space<vmem>>) target_semaphore(%run_scoped3A : memref<!tpu.dma_semaphore, #tpu.memory_space<semaphore_mem>>)
        %dma_wait3A_136 = arith.constant 0 : i32
        %dma_wait3A_137 = tpu.memref_slice %arg2[%select_n3A_20, %add3A_64, %dma_wait3A_136] : memref<26x32x100000xf32, #tpu.memory_space<hbm>> -> memref<1x1x100000xf32, #tpu.memory_space<hbm>>
        %dma_wait3A_138 = tpu.memref_squeeze %dma_wait3A_137 : memref<1x1x100000xf32, #tpu.memory_space<hbm>> -> memref<100000xf32, #tpu.memory_space<hbm>>
        %dma_wait3A_139 = arith.constant 0 : i32
        %dma_wait3A_140 = tpu.memref_slice %arg2[%select_n3A_20, %add3A_64, %dma_wait3A_139] : memref<26x32x100000xf32, #tpu.memory_space<hbm>> -> memref<1x1x100000xf32, #tpu.memory_space<hbm>>
        %dma_wait3A_141 = tpu.memref_squeeze %dma_wait3A_140 : memref<1x1x100000xf32, #tpu.memory_space<hbm>> -> memref<100000xf32, #tpu.memory_space<hbm>>
        tpu.wait_dma2 semaphore(%run_scoped3A : memref<!tpu.dma_semaphore, #tpu.memory_space<semaphore_mem>>) src(%dma_wait3A_141 : memref<100000xf32, #tpu.memory_space<hbm>>) dst(%arg6 : memref<100000xf32, #tpu.memory_space<vmem>>)
        tpu.yield
      }) : () -> ()
      %gt3A = arith.constant 0 : i32
      %gt3A_65 = arith.cmpi sgt, %while3A_63, %gt3A : i32
      %convert_element_type3A = arith.extui %gt3A_65 : i1 to i32
      %cond3A = arith.constant 0 : i32
      %cond3A_66 = arith.cmpi ne, %convert_element_type3A, %cond3A : i32
      scf.if %cond3A_66 {
        %dma_wait3A_130 = arith.constant 0 : i32
        %dma_wait3A_131 = tpu.memref_slice %arg2[%select_n3A_20, %add3A_64, %dma_wait3A_130] : memref<26x32x100000xf32, #tpu.memory_space<hbm>> -> memref<1x1x4096xf32, #tpu.memory_space<hbm>>
        %dma_wait3A_132 = tpu.memref_squeeze %dma_wait3A_131 : memref<1x1x4096xf32, #tpu.memory_space<hbm>> -> memref<4096xf32, #tpu.memory_space<hbm>>
        %dma_wait3A_133 = arith.constant 0 : i32
        %dma_wait3A_134 = tpu.memref_slice %arg2[%select_n3A_20, %add3A_64, %dma_wait3A_133] : memref<26x32x100000xf32, #tpu.memory_space<hbm>> -> memref<1x1x4096xf32, #tpu.memory_space<hbm>>
        %dma_wait3A_135 = tpu.memref_squeeze %dma_wait3A_134 : memref<1x1x4096xf32, #tpu.memory_space<hbm>> -> memref<4096xf32, #tpu.memory_space<hbm>>
        tpu.wait_dma2 semaphore(%arg9 : memref<!tpu.dma_semaphore, #tpu.memory_space<semaphore_mem>>) src(%dma_wait3A_135 : memref<4096xf32, #tpu.memory_space<hbm>>) dst(%arg7 : memref<4096xf32, #tpu.memory_space<vmem>>)
      } else {
      }
      %parallel_loop3A = arith.constant 0 : i32
      %parallel_loop3A_67 = arith.constant 4096 : i32
      %parallel_loop3A_68 = arith.constant 16 : i32
      scf.for %parallel_loop3A_130 = %parallel_loop3A to %parallel_loop3A_67 step %parallel_loop3A_68  : i32 {
        %parallel_loop3A_131 = arith.constant 0 : i32
        %parallel_loop3A_132 = arith.addi %parallel_loop3A_131, %parallel_loop3A_130 : i32
        %parallel_loop3A_133 = arith.index_cast %parallel_loop3A_132 : i32 to index
        %parallel_loop3A_134 = tpu.vector_load %arg5[%parallel_loop3A_133] {strides = array<i32>} : memref<16384xi32, #tpu.memory_space<vmem>>, vector<16xi32>,
        %parallel_loop3A_135 = tpu.vector_load_idx %arg6[%parallel_loop3A_134] : memref<100000xf32, #tpu.memory_space<vmem>>[vector<16xi32>], vector<16xf32>,
        %parallel_loop3A_136 = arith.index_cast %parallel_loop3A_130 : i32 to index
        %parallel_loop3A_137 = tpu.vector_load %arg7[%parallel_loop3A_136] {strides = array<i32>} : memref<4096xf32, #tpu.memory_space<vmem>>, vector<16xf32>,
        tpu.vector_store %arg7[%parallel_loop3A_136], %parallel_loop3A_135 {strides = array<i32>} : memref<4096xf32, #tpu.memory_space<vmem>>, vector<16xf32>,
      } {sc.loop_unroll_factor = 8 : i64, sc.parallel_access}
      %mul3A_69 = arith.constant 32 : i32
      %mul3A_70 = arith.muli %select_n3A_20, %mul3A_69 : i32
      %add3A_71 = arith.addi %mul3A_70, %add3A_64 : i32
      %dma_start3A = arith.constant 0 : i32
      %dma_start3A_72 = tpu.memref_slice %arg4[%add3A_71, %dma_start3A] : memref<832x16384xf32, #tpu.memory_space<hbm>> -> memref<1x4096xf32, #tpu.memory_space<hbm>>
      %dma_start3A_73 = tpu.memref_squeeze %dma_start3A_72 : memref<1x4096xf32, #tpu.memory_space<hbm>> -> memref<4096xf32, #tpu.memory_space<hbm>>
      %dma_start3A_74 = arith.constant 0 : i32
      %dma_start3A_75 = tpu.memref_slice %arg4[%add3A_71, %dma_start3A_74] : memref<832x16384xf32, #tpu.memory_space<hbm>> -> memref<1x4096xf32, #tpu.memory_space<hbm>>
      %dma_start3A_76 = tpu.memref_squeeze %dma_start3A_75 : memref<1x4096xf32, #tpu.memory_space<hbm>> -> memref<4096xf32, #tpu.memory_space<hbm>>
      tpu.enqueue_dma source(%arg7 : memref<4096xf32, #tpu.memory_space<vmem>>) target(%dma_start3A_76 : memref<4096xf32, #tpu.memory_space<hbm>>) target_semaphore(%arg9 : memref<!tpu.dma_semaphore, #tpu.memory_space<semaphore_mem>>)
      %gt3A_77 = arith.constant 0 : i32
      %gt3A_78 = arith.cmpi sgt, %while3A_63, %gt3A_77 : i32
      %convert_element_type3A_79 = arith.extui %gt3A_78 : i1 to i32
      %cond3A_80 = arith.constant 0 : i32
      %cond3A_81 = arith.cmpi ne, %convert_element_type3A_79, %cond3A_80 : i32
      scf.if %cond3A_81 {
        %dma_wait3A_130 = arith.constant 0 : i32
        %dma_wait3A_131 = tpu.memref_slice %arg2[%select_n3A_20, %add3A_64, %dma_wait3A_130] : memref<26x32x100000xf32, #tpu.memory_space<hbm>> -> memref<1x1x4096xf32, #tpu.memory_space<hbm>>
        %dma_wait3A_132 = tpu.memref_squeeze %dma_wait3A_131 : memref<1x1x4096xf32, #tpu.memory_space<hbm>> -> memref<4096xf32, #tpu.memory_space<hbm>>
        %dma_wait3A_133 = arith.constant 0 : i32
        %dma_wait3A_134 = tpu.memref_slice %arg2[%select_n3A_20, %add3A_64, %dma_wait3A_133] : memref<26x32x100000xf32, #tpu.memory_space<hbm>> -> memref<1x1x4096xf32, #tpu.memory_space<hbm>>
        %dma_wait3A_135 = tpu.memref_squeeze %dma_wait3A_134 : memref<1x1x4096xf32, #tpu.memory_space<hbm>> -> memref<4096xf32, #tpu.memory_space<hbm>>
        tpu.wait_dma2 semaphore(%arg10 : memref<!tpu.dma_semaphore, #tpu.memory_space<semaphore_mem>>) src(%dma_wait3A_135 : memref<4096xf32, #tpu.memory_space<hbm>>) dst(%arg8 : memref<4096xf32, #tpu.memory_space<vmem>>)
      } else {
      }
      %parallel_loop3A_82 = arith.constant 0 : i32
      %parallel_loop3A_83 = arith.constant 4096 : i32
      %parallel_loop3A_84 = arith.constant 16 : i32
      scf.for %parallel_loop3A_130 = %parallel_loop3A_82 to %parallel_loop3A_83 step %parallel_loop3A_84  : i32 {
        %parallel_loop3A_131 = arith.constant 4096 : i32
        %parallel_loop3A_132 = arith.addi %parallel_loop3A_131, %parallel_loop3A_130 : i32
        %parallel_loop3A_133 = arith.index_cast %parallel_loop3A_132 : i32 to index
        %parallel_loop3A_134 = tpu.vector_load %arg5[%parallel_loop3A_133] {strides = array<i32>} : memref<16384xi32, #tpu.memory_space<vmem>>, vector<16xi32>,
        %parallel_loop3A_135 = tpu.vector_load_idx %arg6[%parallel_loop3A_134] : memref<100000xf32, #tpu.memory_space<vmem>>[vector<16xi32>], vector<16xf32>,
        %parallel_loop3A_136 = arith.index_cast %parallel_loop3A_130 : i32 to index
        %parallel_loop3A_137 = tpu.vector_load %arg8[%parallel_loop3A_136] {strides = array<i32>} : memref<4096xf32, #tpu.memory_space<vmem>>, vector<16xf32>,
        tpu.vector_store %arg8[%parallel_loop3A_136], %parallel_loop3A_135 {strides = array<i32>} : memref<4096xf32, #tpu.memory_space<vmem>>, vector<16xf32>,
      } {sc.loop_unroll_factor = 8 : i64, sc.parallel_access}
      %mul3A_85 = arith.constant 32 : i32
      %mul3A_86 = arith.muli %select_n3A_20, %mul3A_85 : i32
      %add3A_87 = arith.addi %mul3A_86, %add3A_64 : i32
      %dma_start3A_88 = arith.constant 4096 : i32
      %dma_start3A_89 = tpu.memref_slice %arg4[%add3A_87, %dma_start3A_88] : memref<832x16384xf32, #tpu.memory_space<hbm>> -> memref<1x4096xf32, #tpu.memory_space<hbm>>
      %dma_start3A_90 = tpu.memref_squeeze %dma_start3A_89 : memref<1x4096xf32, #tpu.memory_space<hbm>> -> memref<4096xf32, #tpu.memory_space<hbm>>
      %dma_start3A_91 = arith.constant 4096 : i32
      %dma_start3A_92 = tpu.memref_slice %arg4[%add3A_87, %dma_start3A_91] : memref<832x16384xf32, #tpu.memory_space<hbm>> -> memref<1x4096xf32, #tpu.memory_space<hbm>>
      %dma_start3A_93 = tpu.memref_squeeze %dma_start3A_92 : memref<1x4096xf32, #tpu.memory_space<hbm>> -> memref<4096xf32, #tpu.memory_space<hbm>>
      tpu.enqueue_dma source(%arg8 : memref<4096xf32, #tpu.memory_space<vmem>>) target(%dma_start3A_93 : memref<4096xf32, #tpu.memory_space<hbm>>) target_semaphore(%arg10 : memref<!tpu.dma_semaphore, #tpu.memory_space<semaphore_mem>>)
      %dma_wait3A_94 = arith.constant 0 : i32
      %dma_wait3A_95 = tpu.memref_slice %arg2[%select_n3A_20, %add3A_64, %dma_wait3A_94] : memref<26x32x100000xf32, #tpu.memory_space<hbm>> -> memref<1x1x4096xf32, #tpu.memory_space<hbm>>
      %dma_wait3A_96 = tpu.memref_squeeze %dma_wait3A_95 : memref<1x1x4096xf32, #tpu.memory_space<hbm>> -> memref<4096xf32, #tpu.memory_space<hbm>>
      %dma_wait3A_97 = arith.constant 0 : i32
      %dma_wait3A_98 = tpu.memref_slice %arg2[%select_n3A_20, %add3A_64, %dma_wait3A_97] : memref<26x32x100000xf32, #tpu.memory_space<hbm>> -> memref<1x1x4096xf32, #tpu.memory_space<hbm>>
      %dma_wait3A_99 = tpu.memref_squeeze %dma_wait3A_98 : memref<1x1x4096xf32, #tpu.memory_space<hbm>> -> memref<4096xf32, #tpu.memory_space<hbm>>
      tpu.wait_dma2 semaphore(%arg9 : memref<!tpu.dma_semaphore, #tpu.memory_space<semaphore_mem>>) src(%dma_wait3A_99 : memref<4096xf32, #tpu.memory_space<hbm>>) dst(%arg7 : memref<4096xf32, #tpu.memory_space<vmem>>)
      %parallel_loop3A_100 = arith.constant 0 : i32
      %parallel_loop3A_101 = arith.constant 4096 : i32
      %parallel_loop3A_102 = arith.constant 16 : i32
      scf.for %parallel_loop3A_130 = %parallel_loop3A_100 to %parallel_loop3A_101 step %parallel_loop3A_102  : i32 {
        %parallel_loop3A_131 = arith.constant 8192 : i32
        %parallel_loop3A_132 = arith.addi %parallel_loop3A_131, %parallel_loop3A_130 : i32
        %parallel_loop3A_133 = arith.index_cast %parallel_loop3A_132 : i32 to index
        %parallel_loop3A_134 = tpu.vector_load %arg5[%parallel_loop3A_133] {strides = array<i32>} : memref<16384xi32, #tpu.memory_space<vmem>>, vector<16xi32>,
        %parallel_loop3A_135 = tpu.vector_load_idx %arg6[%parallel_loop3A_134] : memref<100000xf32, #tpu.memory_space<vmem>>[vector<16xi32>], vector<16xf32>,
        %parallel_loop3A_136 = arith.index_cast %parallel_loop3A_130 : i32 to index
        %parallel_loop3A_137 = tpu.vector_load %arg7[%parallel_loop3A_136] {strides = array<i32>} : memref<4096xf32, #tpu.memory_space<vmem>>, vector<16xf32>,
        tpu.vector_store %arg7[%parallel_loop3A_136], %parallel_loop3A_135 {strides = array<i32>} : memref<4096xf32, #tpu.memory_space<vmem>>, vector<16xf32>,
      } {sc.loop_unroll_factor = 8 : i64, sc.parallel_access}
      %mul3A_103 = arith.constant 32 : i32
      %mul3A_104 = arith.muli %select_n3A_20, %mul3A_103 : i32
      %add3A_105 = arith.addi %mul3A_104, %add3A_64 : i32
      %dma_start3A_106 = arith.constant 8192 : i32
      %dma_start3A_107 = tpu.memref_slice %arg4[%add3A_105, %dma_start3A_106] : memref<832x16384xf32, #tpu.memory_space<hbm>> -> memref<1x4096xf32, #tpu.memory_space<hbm>>
      %dma_start3A_108 = tpu.memref_squeeze %dma_start3A_107 : memref<1x4096xf32, #tpu.memory_space<hbm>> -> memref<4096xf32, #tpu.memory_space<hbm>>
      %dma_start3A_109 = arith.constant 8192 : i32
      %dma_start3A_110 = tpu.memref_slice %arg4[%add3A_105, %dma_start3A_109] : memref<832x16384xf32, #tpu.memory_space<hbm>> -> memref<1x4096xf32, #tpu.memory_space<hbm>>
      %dma_start3A_111 = tpu.memref_squeeze %dma_start3A_110 : memref<1x4096xf32, #tpu.memory_space<hbm>> -> memref<4096xf32, #tpu.memory_space<hbm>>
      tpu.enqueue_dma source(%arg7 : memref<4096xf32, #tpu.memory_space<vmem>>) target(%dma_start3A_111 : memref<4096xf32, #tpu.memory_space<hbm>>) target_semaphore(%arg9 : memref<!tpu.dma_semaphore, #tpu.memory_space<semaphore_mem>>)
      %dma_wait3A_112 = arith.constant 0 : i32
      %dma_wait3A_113 = tpu.memref_slice %arg2[%select_n3A_20, %add3A_64, %dma_wait3A_112] : memref<26x32x100000xf32, #tpu.memory_space<hbm>> -> memref<1x1x4096xf32, #tpu.memory_space<hbm>>
      %dma_wait3A_114 = tpu.memref_squeeze %dma_wait3A_113 : memref<1x1x4096xf32, #tpu.memory_space<hbm>> -> memref<4096xf32, #tpu.memory_space<hbm>>
      %dma_wait3A_115 = arith.constant 0 : i32
      %dma_wait3A_116 = tpu.memref_slice %arg2[%select_n3A_20, %add3A_64, %dma_wait3A_115] : memref<26x32x100000xf32, #tpu.memory_space<hbm>> -> memref<1x1x4096xf32, #tpu.memory_space<hbm>>
      %dma_wait3A_117 = tpu.memref_squeeze %dma_wait3A_116 : memref<1x1x4096xf32, #tpu.memory_space<hbm>> -> memref<4096xf32, #tpu.memory_space<hbm>>
      tpu.wait_dma2 semaphore(%arg10 : memref<!tpu.dma_semaphore, #tpu.memory_space<semaphore_mem>>) src(%dma_wait3A_117 : memref<4096xf32, #tpu.memory_space<hbm>>) dst(%arg8 : memref<4096xf32, #tpu.memory_space<vmem>>)
      %parallel_loop3A_118 = arith.constant 0 : i32
      %parallel_loop3A_119 = arith.constant 4096 : i32
      %parallel_loop3A_120 = arith.constant 16 : i32
      scf.for %parallel_loop3A_130 = %parallel_loop3A_118 to %parallel_loop3A_119 step %parallel_loop3A_120  : i32 {
        %parallel_loop3A_131 = arith.constant 12288 : i32
        %parallel_loop3A_132 = arith.addi %parallel_loop3A_131, %parallel_loop3A_130 : i32
        %parallel_loop3A_133 = arith.index_cast %parallel_loop3A_132 : i32 to index
        %parallel_loop3A_134 = tpu.vector_load %arg5[%parallel_loop3A_133] {strides = array<i32>} : memref<16384xi32, #tpu.memory_space<vmem>>, vector<16xi32>,
        %parallel_loop3A_135 = tpu.vector_load_idx %arg6[%parallel_loop3A_134] : memref<100000xf32, #tpu.memory_space<vmem>>[vector<16xi32>], vector<16xf32>,
        %parallel_loop3A_136 = arith.index_cast %parallel_loop3A_130 : i32 to index
        %parallel_loop3A_137 = tpu.vector_load %arg8[%parallel_loop3A_136] {strides = array<i32>} : memref<4096xf32, #tpu.memory_space<vmem>>, vector<16xf32>,
        tpu.vector_store %arg8[%parallel_loop3A_136], %parallel_loop3A_135 {strides = array<i32>} : memref<4096xf32, #tpu.memory_space<vmem>>, vector<16xf32>,
      } {sc.loop_unroll_factor = 8 : i64, sc.parallel_access}
      %mul3A_121 = arith.constant 32 : i32
      %mul3A_122 = arith.muli %select_n3A_20, %mul3A_121 : i32
      %add3A_123 = arith.addi %mul3A_122, %add3A_64 : i32
      %dma_start3A_124 = arith.constant 12288 : i32
      %dma_start3A_125 = tpu.memref_slice %arg4[%add3A_123, %dma_start3A_124] : memref<832x16384xf32, #tpu.memory_space<hbm>> -> memref<1x4096xf32, #tpu.memory_space<hbm>>
      %dma_start3A_126 = tpu.memref_squeeze %dma_start3A_125 : memref<1x4096xf32, #tpu.memory_space<hbm>> -> memref<4096xf32, #tpu.memory_space<hbm>>
      %dma_start3A_127 = arith.constant 12288 : i32
      %dma_start3A_128 = tpu.memref_slice %arg4[%add3A_123, %dma_start3A_127] : memref<832x16384xf32, #tpu.memory_space<hbm>> -> memref<1x4096xf32, #tpu.memory_space<hbm>>
      %dma_start3A_129 = tpu.memref_squeeze %dma_start3A_128 : memref<1x4096xf32, #tpu.memory_space<hbm>> -> memref<4096xf32, #tpu.memory_space<hbm>>
      tpu.enqueue_dma source(%arg8 : memref<4096xf32, #tpu.memory_space<vmem>>) target(%dma_start3A_129 : memref<4096xf32, #tpu.memory_space<hbm>>) target_semaphore(%arg10 : memref<!tpu.dma_semaphore, #tpu.memory_space<semaphore_mem>>)
    }
    %while3A_51 = arith.constant 1 : i32
    scf.for %while3A_63 = %while3A_49 to %while3A_45 step %while3A_51  : i32 {
      %add3A_64 = arith.addi %select_n3A_39, %while3A_63 : i32
      "tpu.region"() ({
        %run_scoped3A = tpu.sem_alloc : memref<!tpu.dma_semaphore, #tpu.memory_space<semaphore_mem>>
        %dma_start3A_130 = arith.constant 0 : i32
        %dma_start3A_131 = tpu.memref_slice %arg2[%select_n3A_20, %add3A_64, %dma_start3A_130] : memref<26x32x100000xf32, #tpu.memory_space<hbm>> -> memref<1x1x100000xf32, #tpu.memory_space<hbm>>
        %dma_start3A_132 = tpu.memref_squeeze %dma_start3A_131 : memref<1x1x100000xf32, #tpu.memory_space<hbm>> -> memref<100000xf32, #tpu.memory_space<hbm>>
        %dma_start3A_133 = arith.constant 0 : i32
        %dma_start3A_134 = tpu.memref_slice %arg2[%select_n3A_20, %add3A_64, %dma_start3A_133] : memref<26x32x100000xf32, #tpu.memory_space<hbm>> -> memref<1x1x100000xf32, #tpu.memory_space<hbm>>
        %dma_start3A_135 = tpu.memref_squeeze %dma_start3A_134 : memref<1x1x100000xf32, #tpu.memory_space<hbm>> -> memref<100000xf32, #tpu.memory_space<hbm>>
        tpu.enqueue_dma source(%dma_start3A_135 : memref<100000xf32, #tpu.memory_space<hbm>>) target(%arg6 : memref<100000xf32, #tpu.memory_space<vmem>>) target_semaphore(%run_scoped3A : memref<!tpu.dma_semaphore, #tpu.memory_space<semaphore_mem>>)
        %dma_wait3A_136 = arith.constant 0 : i32
        %dma_wait3A_137 = tpu.memref_slice %arg2[%select_n3A_20, %add3A_64, %dma_wait3A_136] : memref<26x32x100000xf32, #tpu.memory_space<hbm>> -> memref<1x1x100000xf32, #tpu.memory_space<hbm>>
        %dma_wait3A_138 = tpu.memref_squeeze %dma_wait3A_137 : memref<1x1x100000xf32, #tpu.memory_space<hbm>> -> memref<100000xf32, #tpu.memory_space<hbm>>
        %dma_wait3A_139 = arith.constant 0 : i32
        %dma_wait3A_140 = tpu.memref_slice %arg2[%select_n3A_20, %add3A_64, %dma_wait3A_139] : memref<26x32x100000xf32, #tpu.memory_space<hbm>> -> memref<1x1x100000xf32, #tpu.memory_space<hbm>>
        %dma_wait3A_141 = tpu.memref_squeeze %dma_wait3A_140 : memref<1x1x100000xf32, #tpu.memory_space<hbm>> -> memref<100000xf32, #tpu.memory_space<hbm>>
        tpu.wait_dma2 semaphore(%run_scoped3A : memref<!tpu.dma_semaphore, #tpu.memory_space<semaphore_mem>>) src(%dma_wait3A_141 : memref<100000xf32, #tpu.memory_space<hbm>>) dst(%arg6 : memref<100000xf32, #tpu.memory_space<vmem>>)
        tpu.yield
      }) : () -> ()
      %gt3A = arith.constant 0 : i32
      %gt3A_65 = arith.cmpi sgt, %while3A_63, %gt3A : i32
      %convert_element_type3A = arith.extui %gt3A_65 : i1 to i32
      %cond3A = arith.constant 0 : i32
      %cond3A_66 = arith.cmpi ne, %convert_element_type3A, %cond3A : i32
      scf.if %cond3A_66 {
        %dma_wait3A_130 = arith.constant 0 : i32
        %dma_wait3A_131 = tpu.memref_slice %arg2[%select_n3A_20, %add3A_64, %dma_wait3A_130] : memref<26x32x100000xf32, #tpu.memory_space<hbm>> -> memref<1x1x4096xf32, #tpu.memory_space<hbm>>
        %dma_wait3A_132 = tpu.memref_squeeze %dma_wait3A_131 : memref<1x1x4096xf32, #tpu.memory_space<hbm>> -> memref<4096xf32, #tpu.memory_space<hbm>>
        %dma_wait3A_133 = arith.constant 0 : i32
        %dma_wait3A_134 = tpu.memref_slice %arg2[%select_n3A_20, %add3A_64, %dma_wait3A_133] : memref<26x32x100000xf32, #tpu.memory_space<hbm>> -> memref<1x1x4096xf32, #tpu.memory_space<hbm>>
        %dma_wait3A_135 = tpu.memref_squeeze %dma_wait3A_134 : memref<1x1x4096xf32, #tpu.memory_space<hbm>> -> memref<4096xf32, #tpu.memory_space<hbm>>
        tpu.wait_dma2 semaphore(%arg9 : memref<!tpu.dma_semaphore, #tpu.memory_space<semaphore_mem>>) src(%dma_wait3A_135 : memref<4096xf32, #tpu.memory_space<hbm>>) dst(%arg7 : memref<4096xf32, #tpu.memory_space<vmem>>)
      } else {
      }
      %parallel_loop3A = arith.constant 0 : i32
      %parallel_loop3A_67 = arith.constant 4096 : i32
      %parallel_loop3A_68 = arith.constant 16 : i32
      scf.for %parallel_loop3A_130 = %parallel_loop3A to %parallel_loop3A_67 step %parallel_loop3A_68  : i32 {
        %parallel_loop3A_131 = arith.constant 0 : i32
        %parallel_loop3A_132 = arith.addi %parallel_loop3A_131, %parallel_loop3A_130 : i32
        %parallel_loop3A_133 = arith.index_cast %parallel_loop3A_132 : i32 to index
        %parallel_loop3A_134 = tpu.vector_load %arg5[%parallel_loop3A_133] {strides = array<i32>} : memref<16384xi32, #tpu.memory_space<vmem>>, vector<16xi32>,
        %parallel_loop3A_135 = tpu.vector_load_idx %arg6[%parallel_loop3A_134] : memref<100000xf32, #tpu.memory_space<vmem>>[vector<16xi32>], vector<16xf32>,
        %parallel_loop3A_136 = arith.index_cast %parallel_loop3A_130 : i32 to index
        %parallel_loop3A_137 = tpu.vector_load %arg7[%parallel_loop3A_136] {strides = array<i32>} : memref<4096xf32, #tpu.memory_space<vmem>>, vector<16xf32>,
        tpu.vector_store %arg7[%parallel_loop3A_136], %parallel_loop3A_135 {strides = array<i32>} : memref<4096xf32, #tpu.memory_space<vmem>>, vector<16xf32>,
      } {sc.loop_unroll_factor = 8 : i64, sc.parallel_access}
      %mul3A_69 = arith.constant 32 : i32
      %mul3A_70 = arith.muli %select_n3A_20, %mul3A_69 : i32
      %add3A_71 = arith.addi %mul3A_70, %add3A_64 : i32
      %dma_start3A = arith.constant 0 : i32
      %dma_start3A_72 = tpu.memref_slice %arg4[%add3A_71, %dma_start3A] : memref<832x16384xf32, #tpu.memory_space<hbm>> -> memref<1x4096xf32, #tpu.memory_space<hbm>>
      %dma_start3A_73 = tpu.memref_squeeze %dma_start3A_72 : memref<1x4096xf32, #tpu.memory_space<hbm>> -> memref<4096xf32, #tpu.memory_space<hbm>>
      %dma_start3A_74 = arith.constant 0 : i32
      %dma_start3A_75 = tpu.memref_slice %arg4[%add3A_71, %dma_start3A_74] : memref<832x16384xf32, #tpu.memory_space<hbm>> -> memref<1x4096xf32, #tpu.memory_space<hbm>>
      %dma_start3A_76 = tpu.memref_squeeze %dma_start3A_75 : memref<1x4096xf32, #tpu.memory_space<hbm>> -> memref<4096xf32, #tpu.memory_space<hbm>>
      tpu.enqueue_dma source(%arg7 : memref<4096xf32, #tpu.memory_space<vmem>>) target(%dma_start3A_76 : memref<4096xf32, #tpu.memory_space<hbm>>) target_semaphore(%arg9 : memref<!tpu.dma_semaphore, #tpu.memory_space<semaphore_mem>>)
      %gt3A_77 = arith.constant 0 : i32
      %gt3A_78 = arith.cmpi sgt, %while3A_63, %gt3A_77 : i32
      %convert_element_type3A_79 = arith.extui %gt3A_78 : i1 to i32
      %cond3A_80 = arith.constant 0 : i32
      %cond3A_81 = arith.cmpi ne, %convert_element_type3A_79, %cond3A_80 : i32
      scf.if %cond3A_81 {
        %dma_wait3A_130 = arith.constant 0 : i32
        %dma_wait3A_131 = tpu.memref_slice %arg2[%select_n3A_20, %add3A_64, %dma_wait3A_130] : memref<26x32x100000xf32, #tpu.memory_space<hbm>> -> memref<1x1x4096xf32, #tpu.memory_space<hbm>>
        %dma_wait3A_132 = tpu.memref_squeeze %dma_wait3A_131 : memref<1x1x4096xf32, #tpu.memory_space<hbm>> -> memref<4096xf32, #tpu.memory_space<hbm>>
        %dma_wait3A_133 = arith.constant 0 : i32
        %dma_wait3A_134 = tpu.memref_slice %arg2[%select_n3A_20, %add3A_64, %dma_wait3A_133] : memref<26x32x100000xf32, #tpu.memory_space<hbm>> -> memref<1x1x4096xf32, #tpu.memory_space<hbm>>
        %dma_wait3A_135 = tpu.memref_squeeze %dma_wait3A_134 : memref<1x1x4096xf32, #tpu.memory_space<hbm>> -> memref<4096xf32, #tpu.memory_space<hbm>>
        tpu.wait_dma2 semaphore(%arg10 : memref<!tpu.dma_semaphore, #tpu.memory_space<semaphore_mem>>) src(%dma_wait3A_135 : memref<4096xf32, #tpu.memory_space<hbm>>) dst(%arg8 : memref<4096xf32, #tpu.memory_space<vmem>>)
      } else {
      }
      %parallel_loop3A_82 = arith.constant 0 : i32
      %parallel_loop3A_83 = arith.constant 4096 : i32
      %parallel_loop3A_84 = arith.constant 16 : i32
      scf.for %parallel_loop3A_130 = %parallel_loop3A_82 to %parallel_loop3A_83 step %parallel_loop3A_84  : i32 {
        %parallel_loop3A_131 = arith.constant 4096 : i32
        %parallel_loop3A_132 = arith.addi %parallel_loop3A_131, %parallel_loop3A_130 : i32
        %parallel_loop3A_133 = arith.index_cast %parallel_loop3A_132 : i32 to index
        %parallel_loop3A_134 = tpu.vector_load %arg5[%parallel_loop3A_133] {strides = array<i32>} : memref<16384xi32, #tpu.memory_space<vmem>>, vector<16xi32>,
        %parallel_loop3A_135 = tpu.vector_load_idx %arg6[%parallel_loop3A_134] : memref<100000xf32, #tpu.memory_space<vmem>>[vector<16xi32>], vector<16xf32>,
        %parallel_loop3A_136 = arith.index_cast %parallel_loop3A_130 : i32 to index
        %parallel_loop3A_137 = tpu.vector_load %arg8[%parallel_loop3A_136] {strides = array<i32>} : memref<4096xf32, #tpu.memory_space<vmem>>, vector<16xf32>,
        tpu.vector_store %arg8[%parallel_loop3A_136], %parallel_loop3A_135 {strides = array<i32>} : memref<4096xf32, #tpu.memory_space<vmem>>, vector<16xf32>,
      } {sc.loop_unroll_factor = 8 : i64, sc.parallel_access}
      %mul3A_85 = arith.constant 32 : i32
      %mul3A_86 = arith.muli %select_n3A_20, %mul3A_85 : i32
      %add3A_87 = arith.addi %mul3A_86, %add3A_64 : i32
      %dma_start3A_88 = arith.constant 4096 : i32
      %dma_start3A_89 = tpu.memref_slice %arg4[%add3A_87, %dma_start3A_88] : memref<832x16384xf32, #tpu.memory_space<hbm>> -> memref<1x4096xf32, #tpu.memory_space<hbm>>
      %dma_start3A_90 = tpu.memref_squeeze %dma_start3A_89 : memref<1x4096xf32, #tpu.memory_space<hbm>> -> memref<4096xf32, #tpu.memory_space<hbm>>
      %dma_start3A_91 = arith.constant 4096 : i32
      %dma_start3A_92 = tpu.memref_slice %arg4[%add3A_87, %dma_start3A_91] : memref<832x16384xf32, #tpu.memory_space<hbm>> -> memref<1x4096xf32, #tpu.memory_space<hbm>>
      %dma_start3A_93 = tpu.memref_squeeze %dma_start3A_92 : memref<1x4096xf32, #tpu.memory_space<hbm>> -> memref<4096xf32, #tpu.memory_space<hbm>>
      tpu.enqueue_dma source(%arg8 : memref<4096xf32, #tpu.memory_space<vmem>>) target(%dma_start3A_93 : memref<4096xf32, #tpu.memory_space<hbm>>) target_semaphore(%arg10 : memref<!tpu.dma_semaphore, #tpu.memory_space<semaphore_mem>>)
      %dma_wait3A_94 = arith.constant 0 : i32
      %dma_wait3A_95 = tpu.memref_slice %arg2[%select_n3A_20, %add3A_64, %dma_wait3A_94] : memref<26x32x100000xf32, #tpu.memory_space<hbm>> -> memref<1x1x4096xf32, #tpu.memory_space<hbm>>
      %dma_wait3A_96 = tpu.memref_squeeze %dma_wait3A_95 : memref<1x1x4096xf32, #tpu.memory_space<hbm>> -> memref<4096xf32, #tpu.memory_space<hbm>>
      %dma_wait3A_97 = arith.constant 0 : i32
      %dma_wait3A_98 = tpu.memref_slice %arg2[%select_n3A_20, %add3A_64, %dma_wait3A_97] : memref<26x32x100000xf32, #tpu.memory_space<hbm>> -> memref<1x1x4096xf32, #tpu.memory_space<hbm>>
      %dma_wait3A_99 = tpu.memref_squeeze %dma_wait3A_98 : memref<1x1x4096xf32, #tpu.memory_space<hbm>> -> memref<4096xf32, #tpu.memory_space<hbm>>
      tpu.wait_dma2 semaphore(%arg9 : memref<!tpu.dma_semaphore, #tpu.memory_space<semaphore_mem>>) src(%dma_wait3A_99 : memref<4096xf32, #tpu.memory_space<hbm>>) dst(%arg7 : memref<4096xf32, #tpu.memory_space<vmem>>)
      %parallel_loop3A_100 = arith.constant 0 : i32
      %parallel_loop3A_101 = arith.constant 4096 : i32
      %parallel_loop3A_102 = arith.constant 16 : i32
      scf.for %parallel_loop3A_130 = %parallel_loop3A_100 to %parallel_loop3A_101 step %parallel_loop3A_102  : i32 {
        %parallel_loop3A_131 = arith.constant 8192 : i32
        %parallel_loop3A_132 = arith.addi %parallel_loop3A_131, %parallel_loop3A_130 : i32
        %parallel_loop3A_133 = arith.index_cast %parallel_loop3A_132 : i32 to index
        %parallel_loop3A_134 = tpu.vector_load %arg5[%parallel_loop3A_133] {strides = array<i32>} : memref<16384xi32, #tpu.memory_space<vmem>>, vector<16xi32>,
        %parallel_loop3A_135 = tpu.vector_load_idx %arg6[%parallel_loop3A_134] : memref<100000xf32, #tpu.memory_space<vmem>>[vector<16xi32>], vector<16xf32>,
        %parallel_loop3A_136 = arith.index_cast %parallel_loop3A_130 : i32 to index
        %parallel_loop3A_137 = tpu.vector_load %arg7[%parallel_loop3A_136] {strides = array<i32>} : memref<4096xf32, #tpu.memory_space<vmem>>, vector<16xf32>,
        tpu.vector_store %arg7[%parallel_loop3A_136], %parallel_loop3A_135 {strides = array<i32>} : memref<4096xf32, #tpu.memory_space<vmem>>, vector<16xf32>,
      } {sc.loop_unroll_factor = 8 : i64, sc.parallel_access}
      %mul3A_103 = arith.constant 32 : i32
      %mul3A_104 = arith.muli %select_n3A_20, %mul3A_103 : i32
      %add3A_105 = arith.addi %mul3A_104, %add3A_64 : i32
      %dma_start3A_106 = arith.constant 8192 : i32
      %dma_start3A_107 = tpu.memref_slice %arg4[%add3A_105, %dma_start3A_106] : memref<832x16384xf32, #tpu.memory_space<hbm>> -> memref<1x4096xf32, #tpu.memory_space<hbm>>
      %dma_start3A_108 = tpu.memref_squeeze %dma_start3A_107 : memref<1x4096xf32, #tpu.memory_space<hbm>> -> memref<4096xf32, #tpu.memory_space<hbm>>
      %dma_start3A_109 = arith.constant 8192 : i32
      %dma_start3A_110 = tpu.memref_slice %arg4[%add3A_105, %dma_start3A_109] : memref<832x16384xf32, #tpu.memory_space<hbm>> -> memref<1x4096xf32, #tpu.memory_space<hbm>>
      %dma_start3A_111 = tpu.memref_squeeze %dma_start3A_110 : memref<1x4096xf32, #tpu.memory_space<hbm>> -> memref<4096xf32, #tpu.memory_space<hbm>>
      tpu.enqueue_dma source(%arg7 : memref<4096xf32, #tpu.memory_space<vmem>>) target(%dma_start3A_111 : memref<4096xf32, #tpu.memory_space<hbm>>) target_semaphore(%arg9 : memref<!tpu.dma_semaphore, #tpu.memory_space<semaphore_mem>>)
      %dma_wait3A_112 = arith.constant 0 : i32
      %dma_wait3A_113 = tpu.memref_slice %arg2[%select_n3A_20, %add3A_64, %dma_wait3A_112] : memref<26x32x100000xf32, #tpu.memory_space<hbm>> -> memref<1x1x4096xf32, #tpu.memory_space<hbm>>
      %dma_wait3A_114 = tpu.memref_squeeze %dma_wait3A_113 : memref<1x1x4096xf32, #tpu.memory_space<hbm>> -> memref<4096xf32, #tpu.memory_space<hbm>>
      %dma_wait3A_115 = arith.constant 0 : i32
      %dma_wait3A_116 = tpu.memref_slice %arg2[%select_n3A_20, %add3A_64, %dma_wait3A_115] : memref<26x32x100000xf32, #tpu.memory_space<hbm>> -> memref<1x1x4096xf32, #tpu.memory_space<hbm>>
      %dma_wait3A_117 = tpu.memref_squeeze %dma_wait3A_116 : memref<1x1x4096xf32, #tpu.memory_space<hbm>> -> memref<4096xf32, #tpu.memory_space<hbm>>
      tpu.wait_dma2 semaphore(%arg10 : memref<!tpu.dma_semaphore, #tpu.memory_space<semaphore_mem>>) src(%dma_wait3A_117 : memref<4096xf32, #tpu.memory_space<hbm>>) dst(%arg8 : memref<4096xf32, #tpu.memory_space<vmem>>)
      %parallel_loop3A_118 = arith.constant 0 : i32
      %parallel_loop3A_119 = arith.constant 4096 : i32
      %parallel_loop3A_120 = arith.constant 16 : i32
      scf.for %parallel_loop3A_130 = %parallel_loop3A_118 to %parallel_loop3A_119 step %parallel_loop3A_120  : i32 {
        %parallel_loop3A_131 = arith.constant 12288 : i32
        %parallel_loop3A_132 = arith.addi %parallel_loop3A_131, %parallel_loop3A_130 : i32
        %parallel_loop3A_133 = arith.index_cast %parallel_loop3A_132 : i32 to index
        %parallel_loop3A_134 = tpu.vector_load %arg5[%parallel_loop3A_133] {strides = array<i32>} : memref<16384xi32, #tpu.memory_space<vmem>>, vector<16xi32>,
        %parallel_loop3A_135 = tpu.vector_load_idx %arg6[%parallel_loop3A_134] : memref<100000xf32, #tpu.memory_space<vmem>>[vector<16xi32>], vector<16xf32>,
        %parallel_loop3A_136 = arith.index_cast %parallel_loop3A_130 : i32 to index
        %parallel_loop3A_137 = tpu.vector_load %arg8[%parallel_loop3A_136] {strides = array<i32>} : memref<4096xf32, #tpu.memory_space<vmem>>, vector<16xf32>,
        tpu.vector_store %arg8[%parallel_loop3A_136], %parallel_loop3A_135 {strides = array<i32>} : memref<4096xf32, #tpu.memory_space<vmem>>, vector<16xf32>,
      } {sc.loop_unroll_factor = 8 : i64, sc.parallel_access}
      %mul3A_121 = arith.constant 32 : i32
      %mul3A_122 = arith.muli %select_n3A_20, %mul3A_121 : i32
      %add3A_123 = arith.addi %mul3A_122, %add3A_64 : i32
      %dma_start3A_124 = arith.constant 12288 : i32
      %dma_start3A_125 = tpu.memref_slice %arg4[%add3A_123, %dma_start3A_124] : memref<832x16384xf32, #tpu.memory_space<hbm>> -> memref<1x4096xf32, #tpu.memory_space<hbm>>
      %dma_start3A_126 = tpu.memref_squeeze %dma_start3A_125 : memref<1x4096xf32, #tpu.memory_space<hbm>> -> memref<4096xf32, #tpu.memory_space<hbm>>
      %dma_start3A_127 = arith.constant 12288 : i32
      %dma_start3A_128 = tpu.memref_slice %arg4[%add3A_123, %dma_start3A_127] : memref<832x16384xf32, #tpu.memory_space<hbm>> -> memref<1x4096xf32, #tpu.memory_space<hbm>>
      %dma_start3A_129 = tpu.memref_squeeze %dma_start3A_128 : memref<1x4096xf32, #tpu.memory_space<hbm>> -> memref<4096xf32, #tpu.memory_space<hbm>>
      tpu.enqueue_dma source(%arg8 : memref<4096xf32, #tpu.memory_space<vmem>>) target(%dma_start3A_129 : memref<4096xf32, #tpu.memory_space<hbm>>) target_semaphore(%arg10 : memref<!tpu.dma_semaphore, #tpu.memory_space<semaphore_mem>>)
    }
    %dma_wait3A = arith.constant 0 : i32
    %dma_wait3A_52 = tpu.memref_slice %arg2[%select_n3A_20, %select_n3A_39, %dma_wait3A] : memref<26x32x100000xf32, #tpu.memory_space<hbm>> -> memref<1x1x4096xf32, #tpu.memory_space<hbm>>
    %dma_wait3A_53 = tpu.memref_squeeze %dma_wait3A_52 : memref<1x1x4096xf32, #tpu.memory_space<hbm>> -> memref<4096xf32, #tpu.memory_space<hbm>>
    %dma_wait3A_54 = arith.constant 0 : i32
    %dma_wait3A_55 = tpu.memref_slice %arg2[%select_n3A_20, %select_n3A_39, %dma_wait3A_54] : memref<26x32x100000xf32, #tpu.memory_space<hbm>> -> memref<1x1x4096xf32, #tpu.memory_space<hbm>>
    %dma_wait3A_56 = tpu.memref_squeeze %dma_wait3A_55 : memref<1x1x4096xf32, #tpu.memory_space<hbm>> -> memref<4096xf32, #tpu.memory_space<hbm>>
    tpu.wait_dma2 semaphore(%arg9 : memref<!tpu.dma_semaphore, #tpu.memory_space<semaphore_mem>>) src(%dma_wait3A_56 : memref<4096xf32, #tpu.memory_space<hbm>>) dst(%arg7 : memref<4096xf32, #tpu.memory_space<vmem>>)
    %dma_wait3A_57 = arith.constant 0 : i32
    %dma_wait3A_58 = tpu.memref_slice %arg2[%select_n3A_20, %select_n3A_39, %dma_wait3A_57] : memref<26x32x100000xf32, #tpu.memory_space<hbm>> -> memref<1x1x4096xf32, #tpu.memory_space<hbm>>
    %dma_wait3A_59 = tpu.memref_squeeze %dma_wait3A_58 : memref<1x1x4096xf32, #tpu.memory_space<hbm>> -> memref<4096xf32, #tpu.memory_space<hbm>>
    %dma_wait3A_60 = arith.constant 0 : i32
    %dma_wait3A_61 = tpu.memref_slice %arg2[%select_n3A_20, %select_n3A_39, %dma_wait3A_60] : memref<26x32x100000xf32, #tpu.memory_space<hbm>> -> memref<1x1x4096xf32, #tpu.memory_space<hbm>>
    %dma_wait3A_62 = tpu.memref_squeeze %dma_wait3A_61 : memref<1x1x4096xf32, #tpu.memory_space<hbm>> -> memref<4096xf32, #tpu.memory_space<hbm>>
    tpu.wait_dma2 semaphore(%arg10 : memref<!tpu.dma_semaphore, #tpu.memory_space<semaphore_mem>>) src(%dma_wait3A_62 : memref<4096xf32, #tpu.memory_space<hbm>>) dst(%arg8 : memref<4096xf32, #tpu.memory_space<vmem>>)
    return
  }
}

module attributes {stable_mosaic.version = 14 : i64} {
  func.func @_mlp_body(%arg0: i32, %arg1: memref<832x2048xf32, #tpu.memory_space<vmem>>, %arg2: memref<13x2048xf32, #tpu.memory_space<vmem>>, %arg3: memref<128x832xf32, #tpu.memory_space<vmem>>, %arg4: memref<128x13xf32, #tpu.memory_space<vmem>>, %arg5: memref<128x1xf32, #tpu.memory_space<vmem>>, %arg6: memref<64x128xf32, #tpu.memory_space<vmem>>, %arg7: memref<64x1xf32, #tpu.memory_space<vmem>>, %arg8: memref<1x64xf32, #tpu.memory_space<vmem>>, %arg9: memref<1x1xf32, #tpu.memory_space<vmem>>, %arg10: memref<1x2048xf32, #tpu.memory_space<vmem>>) attributes {dimension_semantics = [#tpu.dimension_semantics<arbitrary>], iteration_bounds = array<i64: 8>, scalar_prefetch = 0 : i64, scratch_operands = 0 : i64, tpu.core_type = #tpu.core_type<tc>, window_params = [{transform_indices = @transform_0, window_bounds = array<i64: 832, 2048>}, {transform_indices = @transform_1, window_bounds = array<i64: 13, 2048>}, {pipeline_mode = #tpu.pipeline_mode<synchronous>, transform_indices = @transform_2, window_bounds = array<i64: 128, 832>}, {pipeline_mode = #tpu.pipeline_mode<synchronous>, transform_indices = @transform_3, window_bounds = array<i64: 128, 13>}, {pipeline_mode = #tpu.pipeline_mode<synchronous>, transform_indices = @transform_4, window_bounds = array<i64: 128, 1>}, {pipeline_mode = #tpu.pipeline_mode<synchronous>, transform_indices = @transform_5, window_bounds = array<i64: 64, 128>}, {pipeline_mode = #tpu.pipeline_mode<synchronous>, transform_indices = @transform_6, window_bounds = array<i64: 64, 1>}, {pipeline_mode = #tpu.pipeline_mode<synchronous>, transform_indices = @transform_7, window_bounds = array<i64: 1, 64>}, {pipeline_mode = #tpu.pipeline_mode<synchronous>, transform_indices = @transform_8, window_bounds = array<i64: 1, 1>}, {transform_indices = @transform_9, window_bounds = array<i64: 1, 2048>}]} {
    %get3A = arith.constant 0 : index
    %get3A_0 = arith.constant 0 : index
    %get3A_1 = vector.load %arg3[%get3A, %get3A_0] : memref<128x832xf32, #tpu.memory_space<vmem>>, vector<128x832xf32>
    %get3A_2 = arith.constant 0 : index
    %get3A_3 = arith.constant 0 : index
    %get3A_4 = vector.load %arg1[%get3A_2, %get3A_3] : memref<832x2048xf32, #tpu.memory_space<vmem>>, vector<832x2048xf32>
    %dot_general3A = arith.constant dense<0.000000e+00> : vector<128x2048xf32>
    %dot_general3A_5 = tpu.matmul %get3A_1, %get3A_4, %dot_general3A {dimension_numbers = #tpu.dot_dimension_numbers<[1], [0], [0], [1], [0, 0, 1, 1], [], []>, transpose_lhs_hint = false} : vector<128x832xf32>, vector<832x2048xf32>, vector<128x2048xf32> -> vector<128x2048xf32>
    %get3A_6 = arith.constant 0 : index
    %get3A_7 = arith.constant 0 : index
    %get3A_8 = vector.load %arg4[%get3A_6, %get3A_7] : memref<128x13xf32, #tpu.memory_space<vmem>>, vector<128x13xf32>
    %get3A_9 = arith.constant 0 : index
    %get3A_10 = arith.constant 0 : index
    %get3A_11 = vector.load %arg2[%get3A_9, %get3A_10] : memref<13x2048xf32, #tpu.memory_space<vmem>>, vector<13x2048xf32>
    %dot_general3A_12 = arith.constant dense<0.000000e+00> : vector<128x2048xf32>
    %dot_general3A_13 = tpu.matmul %get3A_8, %get3A_11, %dot_general3A_12 {dimension_numbers = #tpu.dot_dimension_numbers<[1], [0], [0], [1], [0, 0, 1, 1], [], []>, transpose_lhs_hint = false} : vector<128x13xf32>, vector<13x2048xf32>, vector<128x2048xf32> -> vector<128x2048xf32>
    %add3A = arith.addf %dot_general3A_5, %dot_general3A_13 : vector<128x2048xf32>
    %get3A_14 = arith.constant 0 : index
    %get3A_15 = arith.constant 0 : index
    %get3A_16 = vector.load %arg5[%get3A_14, %get3A_15] : memref<128x1xf32, #tpu.memory_space<vmem>>, vector<128x1xf32>
    %add3A_17 = vector.broadcast %get3A_16 : vector<128x1xf32> to vector<128x2048xf32>
    %add3A_18 = arith.addf %add3A, %add3A_17 : vector<128x2048xf32>
    %max3A = arith.constant 0.000000e+00 : f32
    %max3A_19 = vector.broadcast %max3A : f32 to vector<128x2048xf32>
    %max3A_20 = arith.maximumf %add3A_18, %max3A_19 : vector<128x2048xf32>
    %get3A_21 = arith.constant 0 : index
    %get3A_22 = arith.constant 0 : index
    %get3A_23 = vector.load %arg6[%get3A_21, %get3A_22] : memref<64x128xf32, #tpu.memory_space<vmem>>, vector<64x128xf32>
    %dot_general3A_24 = arith.constant dense<0.000000e+00> : vector<64x2048xf32>
    %dot_general3A_25 = tpu.matmul %get3A_23, %max3A_20, %dot_general3A_24 {dimension_numbers = #tpu.dot_dimension_numbers<[1], [0], [0], [1], [0, 0, 1, 1], [], []>, transpose_lhs_hint = false} : vector<64x128xf32>, vector<128x2048xf32>, vector<64x2048xf32> -> vector<64x2048xf32>
    %get3A_26 = arith.constant 0 : index
    %get3A_27 = arith.constant 0 : index
    %get3A_28 = vector.load %arg7[%get3A_26, %get3A_27] : memref<64x1xf32, #tpu.memory_space<vmem>>, vector<64x1xf32>
    %add3A_29 = vector.broadcast %get3A_28 : vector<64x1xf32> to vector<64x2048xf32>
    %add3A_30 = arith.addf %dot_general3A_25, %add3A_29 : vector<64x2048xf32>
    %max3A_31 = arith.constant 0.000000e+00 : f32
    %max3A_32 = vector.broadcast %max3A_31 : f32 to vector<64x2048xf32>
    %max3A_33 = arith.maximumf %add3A_30, %max3A_32 : vector<64x2048xf32>
    %get3A_34 = arith.constant 0 : index
    %get3A_35 = arith.constant 0 : index
    %get3A_36 = vector.load %arg8[%get3A_34, %get3A_35] : memref<1x64xf32, #tpu.memory_space<vmem>>, vector<1x64xf32>
    %dot_general3A_37 = arith.constant dense<0.000000e+00> : vector<1x2048xf32>
    %dot_general3A_38 = tpu.matmul %get3A_36, %max3A_33, %dot_general3A_37 {dimension_numbers = #tpu.dot_dimension_numbers<[1], [0], [0], [1], [0, 0, 1, 1], [], []>, transpose_lhs_hint = false} : vector<1x64xf32>, vector<64x2048xf32>, vector<1x2048xf32> -> vector<1x2048xf32>
    %get3A_39 = arith.constant 0 : index
    %get3A_40 = arith.constant 0 : index
    %get3A_41 = vector.load %arg9[%get3A_39, %get3A_40] : memref<1x1xf32, #tpu.memory_space<vmem>>, vector<1x1xf32>
    %add3A_42 = vector.broadcast %get3A_41 : vector<1x1xf32> to vector<1x2048xf32>
    %add3A_43 = arith.addf %dot_general3A_38, %add3A_42 : vector<1x2048xf32>
    %swap3A = arith.constant 0 : index
    %swap3A_44 = arith.constant 0 : index
    %swap3A_45 = vector.load %arg10[%swap3A, %swap3A_44] : memref<1x2048xf32, #tpu.memory_space<vmem>>, vector<1x2048xf32>
    tpu.vector_store %arg10[%swap3A, %swap3A_44], %add3A_43 {strides = array<i32>} : memref<1x2048xf32, #tpu.memory_space<vmem>>, vector<1x2048xf32>,
    return
  }
  func.func @transform_0(%arg0: i32) -> (i32, i32) {
    %c0_i32 = arith.constant 0 : i32
    %c0_i32_0 = arith.constant 0 : i32
    return %c0_i32, %arg0 : i32, i32
  }
  func.func @transform_1(%arg0: i32) -> (i32, i32) {
    %c0_i32 = arith.constant 0 : i32
    %c0_i32_0 = arith.constant 0 : i32
    return %c0_i32, %arg0 : i32, i32
  }
  func.func @transform_2(%arg0: i32) -> (i32, i32) {
    %c0_i32 = arith.constant 0 : i32
    %c0_i32_0 = arith.constant 0 : i32
    %c0_i32_1 = arith.constant 0 : i32
    return %c0_i32, %c0_i32_0 : i32, i32
  }
  func.func @transform_3(%arg0: i32) -> (i32, i32) {
    %c0_i32 = arith.constant 0 : i32
    %c0_i32_0 = arith.constant 0 : i32
    %c0_i32_1 = arith.constant 0 : i32
    return %c0_i32, %c0_i32_0 : i32, i32
  }
  func.func @transform_4(%arg0: i32) -> (i32, i32) {
    %c0_i32 = arith.constant 0 : i32
    %c0_i32_0 = arith.constant 0 : i32
    %c0_i32_1 = arith.constant 0 : i32
    return %c0_i32, %c0_i32_0 : i32, i32
  }
  func.func @transform_5(%arg0: i32) -> (i32, i32) {
    %c0_i32 = arith.constant 0 : i32
    %c0_i32_0 = arith.constant 0 : i32
    %c0_i32_1 = arith.constant 0 : i32
    return %c0_i32, %c0_i32_0 : i32, i32
  }
  func.func @transform_6(%arg0: i32) -> (i32, i32) {
    %c0_i32 = arith.constant 0 : i32
    %c0_i32_0 = arith.constant 0 : i32
    %c0_i32_1 = arith.constant 0 : i32
    return %c0_i32, %c0_i32_0 : i32, i32
  }
  func.func @transform_7(%arg0: i32) -> (i32, i32) {
    %c0_i32 = arith.constant 0 : i32
    %c0_i32_0 = arith.constant 0 : i32
    %c0_i32_1 = arith.constant 0 : i32
    return %c0_i32, %c0_i32_0 : i32, i32
  }
  func.func @transform_8(%arg0: i32) -> (i32, i32) {
    %c0_i32 = arith.constant 0 : i32
    %c0_i32_0 = arith.constant 0 : i32
    %c0_i32_1 = arith.constant 0 : i32
    return %c0_i32, %c0_i32_0 : i32, i32
  }
  func.func @transform_9(%arg0: i32) -> (i32, i32) {
    %c0_i32 = arith.constant 0 : i32
    %c0_i32_0 = arith.constant 0 : i32
    return %c0_i32, %arg0 : i32, i32
  }
}

</mosaic_0001>

<sc_bundles>
// kernel: kernel.4.cloned.1.call-start
scs
__scs_entry_jumppad:
0x0: {  	(pc) =	sbr.rel $0x88, $3  }
0x1: {  	(tag) =	ssettag $0x0;
	lr =	simm.s32 $0x1  }
0x2: {  	[smem:$0x3F98] =	sst lr;
	_ =	strace $0xD0000000  }
0x3: {  	_ = 	snop  }
0x4: {  	_ = 	snop  }
0x5: {  	_ = 	snop  }
0x6: {  	_ = 	snop  }
0x7: {  	_ = 	snop  }
__scs_overlays_trampoline_lowered:
0x8: {  	[smem:$0x3FA7] =	sst s0  }
0x9: {  	[smem:$0x3FA8] =	sst s1  }
0xa: {  	[smem:$0x3FA9] =	sst s2  }
0xb: {  	[smem:$0x3FAA] =	sst s3  }
0xc: {  	[smem:$0x3FAB] =	sst s4  }
0xd: {  	[smem:$0x3FAC] =	sst s5  }
0xe: {  	[smem:$0x3FAD] =	sst s6  }
0xf: {  	[smem:$0x3FAE] =	sst s7  }
0x10: {  	[smem:$0x3FAF] =	sst s8  }
0x11: {  	[smem:$0x3FB0] =	sst s9;
	s0 =	simm.s32 @!p0 $0x0  }
0x12: {  	s1 =	sld [smem:$0x3F96];
	s0 =	simm.s32 @p0 $0x1  }
0x13: {  	[smem:$0x3FB1] =	sst s0;
	s0 =	simm.s32 @!p1 $0x0  }
0x14: {  	s2 =	sld [smem:$0x3F95];
	s0 =	simm.s32 @p1 $0x1  }
0x15: {  	[smem:$0x3FB2] =	sst s0;
	s0 =	simm.s32 @!p2 $0x0  }
0x16: {  	s3 =	sld [smem:$0x3FDB];
	s0 =	simm.s32 @p2 $0x1  }
0x17: {  	s4 =	simm.s32 $0x1BF5;
	[smem:$0x3FB4] =	sst s0  }
0x18: {  	s0 =	sld [smem:$0x3F97];
	_ =	swait.ge [sflag:s4], $0x0  }
0x19: {  	s7 =	sld [smem:$0x3F98]  }
0x1a: {  	s8 =	sadd.s32 $0xFFFFE003, lr  }
0x1b: {  	s9 =	sadd.s32 $0xFFFFFEF7, lr;
	s5 =	simm.s32 $0xFFFFFFFF;
	p2 =	slt.u32 s8, $0xFFFFF086  }
0x1c: {  	p1 =	slt.u32 s9, $0xF7A;
	s5 =	simm.s32 @!p2 $0x0  }
0x1d: {  	s5 =	simm.s32 @p1 $0x1;
	p0 =	seq.s32 s7, s2  }
0x1e: {  	s7 =	smul.u32 @!p0 $0xF7A, s2;
	p2 =	seq.s32 @!p0 s5, $0x0  }
0x1f: {  	s9 =	smul.u32 $0xF7A, s1;
	s8 =	simm.s32 @!p0 $0x1BF5;
	p2 =	por !p2, p0  }
0x20: {  	[sflag:s8] =	ssyncset.s32 @!p0 $0xFFFFF086;
	s6 =	sadd.s32 @!p0 s3, s7;
	s7 =	simm.s32 @!p0 $0x108  }
0x21: {  	s3 =	sadd.s32 s3, s9;
	s6 =	sadd.s32 @!p0 $0x88, s6;
	s7 =	simm.s32 @p2 $0x1082  }
0x22: {  	[simem:s7], [sflag:s8] =	dma.local @!p0 [hbm:s6], $0xF7A  }
0x23: {  	s9 =	sor.u32 $0xD0000000, s2;
	s6 =	simm.s32 $0x108;
	_ =	swait.ge @!p0 [sflag:s8], $0x0  }
0x24: {  	s3 =	sadd.s32 $0x88, s3;
	s6 =	simm.s32 @!p1 $0x1082;
	[sflag:s4] =	ssyncset.s32 $0xFFFFF086  }
0x25: {  	[simem:s6], [sflag:s4] =	dma.local [hbm:s3], $0xF7A  }
0x26: {  	[smem:$0x3F98] =	sst s1;
	(tag) =	ssettag s2;
	_ =	strace s9  }
0x27: {  	s1 =	sld [smem:$0x3FA8]  }
0x28: {  	s2 =	sld [smem:$0x3FA9]  }
0x29: {  	s4 =	sld [smem:$0x3FAB]  }
0x2a: {  	p0 =	seq.s32 s5, $0x0;
	s5 =	sld [smem:$0x3FAC]  }
0x2b: {  	s6 =	sld [smem:$0x3FAD]  }
0x2c: {  	s7 =	sld [smem:$0x3FAE]  }
0x2d: {  	s3 =	simm.s32 $0x108;
	s8 =	sld [smem:$0x3FAF]  }
0x2e: {  	s3 =	simm.s32 @!p0 $0x1082;
	s9 =	sld [smem:$0x3FB0]  }
0x2f: {  	lr =	sadd.s32 s0, s3;
	s0 =	sld [smem:$0x3FA7]  }
0x30: {  	s3 =	sld [smem:$0x3FAA]  }
0x31: {  	[smem:$0x3FB3] =	sst s10  }
0x32: {  	s10 =	sld [smem:$0x3FB1];
	_ =	sdelay $0x3  }
0x33: {  	p0 =	seq.s32 s10, $0x1;
	s10 =	sld [smem:$0x3FB3];
	_ =	sdelay $0x3  }
0x34: {  	[smem:$0x3FB3] =	sst s10  }
0x35: {  	s10 =	sld [smem:$0x3FB2];
	_ =	sdelay $0x3  }
0x36: {  	p1 =	seq.s32 s10, $0x1;
	s10 =	sld [smem:$0x3FB3];
	_ =	sdelay $0x3  }
0x37: {  	[smem:$0x3FB3] =	sst s10  }
0x38: {  	s10 =	sld [smem:$0x3FB4]  }
0x39: {  	_ = 	snop;
	(pc) =	sbr.ind lr, $3  }
0x3a: {  	_ = 	snop  }
0x3b: {  	_ = 	snop  }
0x3c: {  	p2 =	seq.s32 s10, $0x1;
	s10 =	sld [smem:$0x3FB3]  }
0x3d: {  	_ =	shalt  }
0x3e: {  	_ =	shalt  }
0x3f: {  	_ =	shalt  }
0x40: {  	_ =	shalt  }
0x41: {  	_ =	shalt  }
0x42: {  	_ =	shalt  }
0x43: {  	_ =	shalt  }
0x44: {  	_ =	shalt  }
0x45: {  	_ =	shalt  }
0x46: {  	_ =	shalt  }
0x47: {  	_ =	shalt  }
0x48: {  	_ =	shalt  }
0x49: {  	_ =	shalt  }
0x4a: {  	_ =	shalt  }
0x4b: {  	_ =	shalt  }
0x4c: {  	_ =	shalt  }
0x4d: {  	_ =	shalt  }
0x4e: {  	_ =	shalt  }
0x4f: {  	_ =	shalt  }
0x50: {  	_ =	shalt  }
0x51: {  	_ =	shalt  }
0x52: {  	_ =	shalt  }
0x53: {  	_ =	shalt  }
0x54: {  	_ =	shalt  }
0x55: {  	_ =	shalt  }
0x56: {  	_ =	shalt  }
0x57: {  	_ =	shalt  }
0x58: {  	_ =	shalt  }
0x59: {  	_ =	shalt  }
0x5a: {  	_ =	shalt  }
0x5b: {  	_ =	shalt  }
0x5c: {  	_ =	shalt  }
0x5d: {  	_ =	shalt  }
0x5e: {  	_ =	shalt  }
0x5f: {  	_ =	shalt  }
0x60: {  	_ =	shalt  }
0x61: {  	_ =	shalt  }
0x62: {  	_ =	shalt  }
0x63: {  	_ =	shalt  }
0x64: {  	_ =	shalt  }
0x65: {  	_ =	shalt  }
0x66: {  	_ =	shalt  }
0x67: {  	_ =	shalt  }
0x68: {  	_ =	shalt  }
0x69: {  	_ =	shalt  }
0x6a: {  	_ =	shalt  }
0x6b: {  	_ =	shalt  }
0x6c: {  	_ =	shalt  }
0x6d: {  	_ =	shalt  }
0x6e: {  	_ =	shalt  }
0x6f: {  	_ =	shalt  }
0x70: {  	_ =	shalt  }
0x71: {  	_ =	shalt  }
0x72: {  	_ =	shalt  }
0x73: {  	_ =	shalt  }
0x74: {  	_ =	shalt  }
0x75: {  	_ =	shalt  }
0x76: {  	_ =	shalt  }
0x77: {  	_ =	shalt  }
0x78: {  	_ =	shalt  }
0x79: {  	_ =	shalt  }
0x7a: {  	_ =	shalt  }
0x7b: {  	_ =	shalt  }
0x7c: {  	_ =	shalt  }
0x7d: {  	_ =	shalt  }
0x7e: {  	_ =	shalt  }
0x7f: {  	_ =	shalt  }
0x80: {  	_ =	shalt  }
0x81: {  	_ =	shalt  }
0x82: {  	_ =	shalt  }
0x83: {  	_ =	shalt  }
0x84: {  	_ =	shalt  }
0x85: {  	_ =	shalt  }
0x86: {  	_ =	shalt  }
0x87: {  	_ =	shalt  }
.Lfunc_end0:
.L_simem_size_0:
called_computation_lowered:
.L_overlay_start_0:
0x88: {  	s2 =	sld [smem:$0x3FD9]  }
0x89: {  	s3 =	sld [smem:$0x3FFE];
	_ =	sdelay $0x1  }
0x8a: {  	s1 =	srdreg.scid  }
0x8b: {  	s0 =	sand.u32 $0x1, s1  }
0x8c: {  	s17 =	sshll.u32 s0, $0xA;
	s2 =	sadd.s32 s3, s2  }
0x8d: {  	s2 =	sadd.s32 s2, s17  }
0x8e: {  	[smem:$0x3FBF] =	sst s2  }
0x8f: {  	_ = 	snop  }
0x90: {  	s2 =	sld [smem:$0x3FC9]  }
0x91: {  	s18 =	sld [smem:$0x3FC7];
	(tm) =	ssettm $0x1  }
0x92: {  	s4 =	sld [smem:$0x3FFB];
	_ =	sdelay $0x3  }
0x93: {  	_ =	strace s4  }
0x94: {  	s4 =	sld [smem:$0x3FFC];
	_ =	sdelay $0x3  }
0x95: {  	_ =	strace s4  }
0x96: {  	s4 =	sld [smem:$0x3FFD];
	_ =	sdelay $0x3  }
0x97: {  	_ =	strace s4  }
0x98: {  	_ =	strace $0x8FFFFFFF  }
0x99: {  	s19 =	sld [smem:$0x3FDB];
	_ =	sdelay $0x1  }
0x9a: {  	s5 =	simm.s32 $_scs_section_size  }
0x9b: {  	s6 =	simm.s32 $_size__tile_overlayer_lowered;
	s7 =	simm.s32 $_tile_overlayer_lowered  }
0x9c: {  	s22 =	simm.s32 $0x1BFF;
	s21 =	sshll.u32 s7, $0x1;
	s4 =	sadd.s32 s5, s19  }
0x9d: {  	s8 =	simm.s32 $0x0;
	s20 =	sshll.u32 s6, $0x1;
	s6 =	sadd.s32 s21, s4  }
0x9e: {  	[timem:s8], [sflag:s22] =	dma.local [hbm:s6], s20  }
0x9f: {  	_ =	swait.ge [sflag:s22], s20  }
0xa0: {  	s5 =	ssub.s32 $0x0, s20;
	[sflag:s22] =	ssyncset.done $0x0  }
0xa1: {  	[sflag:s22] =	ssyncadd.s32 s5;
	_ =	sdelay $0x1  }
0xa2: {  	s23 =	simm.s32 $0x1B8B  }
0xa3: {  	_ =	swait.ge [sflag:s23], $0x1  }
0xa4: {  	[sflag:s23] =	ssyncset.done $0x0  }
0xa5: {  	s25 =	simm.s32 $0x1B8E;
	s24 =	sld [smem:$0x3FFE];
	[sflag:s23] =	ssyncadd.s32 $0xFFFFFFFF  }
0xa6: {  	s26 =	simm.s32 $execute0_lowered;
	[smem:$0x3FD2] =	sst s25  }
0xa7: {  	s6 =	sshll.u32 s26, $0x1;
	_ =	strace $0x80000046;
	[dreg:$0x1] =	wrdreg $0xFFFFFFFF  }
0xa8: {  	s28 =	simm.s32 $_size_execute0_lowered;
	s4 =	sadd.s32 s4, s6;
	[dreg:$0x0] =	wrdreg $0x0  }
0xa9: {  	s6 =	sshll.u32 s28, $0x1;
	[dreg:$0x2] =	wrdreg s4  }
0xaa: {  	[dreg:$0x3] =	wrdreg s6  }
0xab: {  	[dreg:$0x4] =	wrdreg $0xC0  }
0xac: {  	_ =	task [dreg:s8], $0x5FFFF  }
0xad: {  	[dreg:$0x1] =	wrdreg $0xFFFFFFFF  }
0xae: {  	[dreg:$0x0] =	wrdreg $0x60  }
0xaf: {  	[dreg:$0x2] =	wrdreg s18  }
0xb0: {  	[dreg:$0x3] =	wrdreg s2  }
0xb1: {  	[dreg:$0x4] =	wrdreg s24  }
0xb2: {  	[dreg:$0x5] =	wrdreg $0x9  }
0xb3: {  	_ =	task.clear_ibuf [dreg:s8], $0x6FFFF;
	_ =	strace $0x90000046  }
0xb4: {  	s29 =	simm.s32 $0x9;
	_ =	strace $0x80000048  }
0xb5: {  	_ =	swait.ge [sflag:s29], $0x1  }
0xb6: {  	[sflag:s29] =	ssyncadd.s32 $0xFFFFFFFF  }
0xb7: {  	_ =	strace $0x90000048  }
0xb8: {  	_ =	sfence  }
0xb9: {  	s30 =	sld [smem:$0x0];
	_ =	sdelay $0x2  }
0xba: {  	s31 =	sshll.u32 s1, $0xD;
	s1 =	sshrl.u32 s1, $0x2  }
0xbb: {  	s3 =	sand.u32 $0x4000, s31;
	s1 =	sadd.s32 s1, s30  }
0xbc: {  	s0 =	sor.u32 s3, s0;
	s1 =	sshll.u32 s1, $0x11  }
0xbd: {  	s0 =	sor.u32 s1, s0  }
0xbe: {  	s0 =	sadd.s32 $0x8F2B, s0  }
0xbf: {  	[sflag:s0] =	ssyncadd.remote.s32 $0x1  }
0xc0: {  	_ =	sfence.sel $0xFFFF  }
0xc1: {  	[dreg:$0x0] =	wrdreg $0xFFFFFFFF;
	(pc) =	sbr.abs _section_cstart, $3  }
0xc2: {  	[dreg:$0x1] =	wrdreg $0xFFFFFFFF  }
0xc3: {  	_ =	task.clear_ibuf [dreg:s8], $0x2FFFF;
	_ =	strace $0x9FFFFFFF  }
0xc4: {  	(tm) =	ssettm $0x7FFFFFFF  }
0xc5: {  	_ =	shalt  }
tec
execute0_lowered:
.L_overlay_start_1:
0x0: {  	(tag) =	ssettag $0x1  }
0x1: {  	s2 =	srdreg.scid;
	s1 =	rddreg [dreg:$0x0]  }
0x2: {  	s0 =	stileid.u32;
	s8 =	rddreg [dreg:$0x1]  }
0x3: {  	s13 =	rddreg [dreg:$0x2];
	s3 =	simm.s32 $0x0;
	s5 =	simm.s32 $0x1  }
0x4: {  	s15 =	simm.s32 $0x80;
	s16 =	simm.s32 $0x400;
	s17 =	simm.s32 $0x3  }
0x5: {  	s18 =	simm.s32 $0x4000;
	s19 =	simm.s32 $0x1C700;
	s20 =	simm.s32 $0x1D700  }
0x6: {  	s21 =	simm.s32 $0x2;
	s6 =	sand.u32 $0x1, s2;
	s29 =	sshll.u32 s0, $0x1  }
0x7: {  	s22 =	simm.s32 $0x0;
	s2 =	rddreg [dreg:$0x3];
	s4 =	sor.u32 s6, s29  }
0x8: {  	[smem:$0x7FF] =	sst s3;
	p1 =	seq.s32 s6, $0x1;
	p0 =	seq.s32 s4, $0x0  }
0x9: {  	s12 =	sadd.s32 $0x3600, s13;
	_ =	strace $0x80000047;
	p0 =	por !p0, !p1  }
0xa: {  	s7 =	ssub.s32 $0x2, s6;
	s6 =	sshll.u32 s6, $0x4;
	p0 =	por !p0, !p0  }
0xb: {  	s10 =	sadd.s32 $0xFFFFFFFA, s4;
	s4 =	sadd.s32 $0x1600, s13;
	s5 =	simm.s32 @!p0 $0x0  }
0xc: {  	s9 =	sshrl.u32 s7, $0x1;
	p0 =	slt.u32 s0, $0x6;
	s5 =	ssub.s32 s0, s5  }
0xd: {  	s14 =	ssub.s32 s7, s9;
	s7 =	simm.s32 $0x10;
	s10 =	smov.u32 @p0 s5  }
0xe: {  	s14 =	smax.u32 s14, $0x1;
	s30 =	sshll.u32 s10, $0xE;
	s31 =	sshll.u32 s10, $0x7  }
0xf: {  	s6 =	simm.s32 @!p0 $0x0;
	s11 =	sand.u32 $0xFFFE0000, s30;
	s9 =	sand.u32 $0x380, s31  }
0x10: {  	s7 =	simm.s32 @!p0 $0x20;
	s5 =	simm.s32 $0x1;
	s9 =	sor.u32 s9, s11  }
0x11: {  	s11 =	sadd.s32 $0x2600, s13;
	s13 =	sadd.s32 $0x4600, s13;
	s9 =	sshrl.u32 s9, $0x3  }
0x12: {  	s8 =	sadd.s32 s8, s9;
	s9 =	smul.u32 $0x30E000, s10;
	s10 =	sshll.u32 s10, $0x13  }
.LBB2_1:
0x13: {  	[tilespmem:s3], [sflag:$0x3] =	stream.strided.gather [hbm4b:s8+s15], $0x4000, s16, s15, $0x38;
	[tilespmem:$0x1E700] =	vst v63  }
0x14: {  	_ =	swait.ge [sflag:s17], $0x4000  }
0x15: {  	[sflag:s17] =	ssyncset.done $0x0  }
0x16: {  	s23 =	simm.s32 $0x0;
	[sflag:s17] =	ssyncadd.s32 $0xFFFFC000  }
.LBB2_2:
0x17: {  	s25 =	sadd.s32 s6, s23  }
0x18: {  	s24 =	sshrl.u32 s25, $0x3  }
0x19: {  	s24 =	smul.u32 $0xC3800, s24  }
0x1a: {  	s26 =	sshll.u32 s23, $0x7  }
0x1b: {  	s28 =	sadd.s32 s9, s24;
	s24 =	sand.u32 $0x380, s26  }
0x1c: {  	s26 =	sor.u32 s24, s28  }
0x1d: {  	s26 =	sshrl.u32 s26, $0x3  }
0x1e: {  	s26 =	sadd.s32 s1, s26  }
0x1f: {  	[tilespmem:s18], [sflag:$0x3] =	stream.strided.gather [hbm4b:s26+s15], $0x18700, s16, s15, $0x38;
	[tilespmem:$0x1E700] =	vst v63  }
0x20: {  	_ =	swait.ge [sflag:s17], $0x18700  }
0x21: {  	p0 =	seq.s32 s23, $0x0;
	[sflag:s17] =	ssyncset.done $0x0  }
0x22: {  	s26 =	simm.s32 @!p0 $0x1;
	[sflag:s17] =	ssyncadd.s32 $0xFFFE7900  }
0x23: {  	_ =	swait.ge @!p0 [sflag:s26], $0x1000  }
0x24: {  	[sflag:s26] =	ssyncset.done @!p0 $0x0  }
0x25: {  	s31 =	simm.s32 $0x40;
	[sflag:s26] =	ssyncadd.s32 @!p0 $0xFFFFF000  }
0x26: {  	v0 =	vld [tilespmem:s31+$0x30]  }
0x27: {  	v1 =	vld [tilespmem:s31+$0xFFFFFFD0]  }
0x28: {  	v2 =	vld [tilespmem:s31+$0xFFFFFFE0]  }
0x29: {  	v3 =	vld [tilespmem:s31+$0xFFFFFFF0]  }
0x2a: {  	v6 =	vld [tilespmem:s31+$0x0]  }
0x2b: {  	v7 =	vld [tilespmem:s31+$0x10]  }
0x2c: {  	v8 =	vld [tilespmem:s31+$0x20]  }
0x2d: {  	v9 =	vld [tilespmem:s31+$0xFFFFFFC0]  }
0x2e: {  	v10 =	vld.idx.msk [tilespmem:v0+s18+$0x0], $0xffff  }
0x2f: {  	v11 =	vld.idx.msk [tilespmem:v1+s18+$0x0], $0xffff  }
0x30: {  	v5 =	vld.idx.msk [tilespmem:v2+s18+$0x0], $0xffff  }
0x31: {  	v4 =	vld.idx.msk [tilespmem:v3+s18+$0x0], $0xffff  }
0x32: {  	v3 =	vld.idx.msk [tilespmem:v6+s18+$0x0], $0xffff  }
0x33: {  	s26 =	simm.s32 $0x1C740;
	v1 =	vld.idx.msk [tilespmem:v7+s18+$0x0], $0xffff  }
0x34: {  	v0 =	vld.idx.msk [tilespmem:v8+s18+$0x0], $0xffff;
	[tilespmem:s26+$0x30] =	vst v10  }
0x35: {  	s29 =	simm.s32 $0xC0;
	s28 =	simm.s32 $0x0;
	v2 =	vld.idx.msk [tilespmem:v9+s18+$0x0], $0xffff;
	[tilespmem:s26+$0xFFFFFFD0] =	vst v11  }
.LBB2_3:
0x36: {  	v6 =	vld [tilespmem:s29+$0x30];
	s28 =	sadd.s32 $0x80, s28;
	[tilespmem:s26+$0xFFFFFFE0] =	vst v5  }
0x37: {  	v5 =	vld [tilespmem:s29+$0xFFFFFFD0];
	p1 =	slt.u32 s28, $0xF80;
	[tilespmem:s26+$0xFFFFFFF0] =	vst v4  }
0x38: {  	v4 =	vld [tilespmem:s29+$0xFFFFFFE0];
	[tilespmem:s26+$0x0] =	vst v3  }
0x39: {  	v3 =	vld [tilespmem:s29+$0xFFFFFFF0];
	[tilespmem:s26+$0x10] =	vst v1  }
0x3a: {  	v1 =	vld [tilespmem:s29+$0x0];
	[tilespmem:s26+$0x20] =	vst v0  }
0x3b: {  	v0 =	vld [tilespmem:s29+$0x10];
	[tilespmem:s26+$0xFFFFFFC0] =	vst v2  }
0x3c: {  	v2 =	vld [tilespmem:s29+$0x20]  }
0x3d: {  	v7 =	vld [tilespmem:s29+$0xFFFFFFC0]  }
0x3e: {  	v6 =	vld.idx.msk [tilespmem:v6+s18+$0x0], $0xffff  }
0x3f: {  	v8 =	vld.idx.msk [tilespmem:v5+s18+$0x0], $0xffff  }
0x40: {  	v5 =	vld.idx.msk [tilespmem:v4+s18+$0x0], $0xffff  }
.Ltmp0:
0x41: {  	v4 =	vld.idx.msk [tilespmem:v3+s18+$0x0], $0xffff;
	(pc) =	sbr.rel @p1 .LBB2_3-.Ltmp0, $4  }
0x42: {  	v3 =	vld.idx.msk [tilespmem:v1+s18+$0x0], $0xffff  }
0x43: {  	s26 =	sadd.s32 $0x80, s26;
	v1 =	vld.idx.msk [tilespmem:v0+s18+$0x0], $0xffff  }
0x44: {  	v0 =	vld.idx.msk [tilespmem:v2+s18+$0x0], $0xffff;
	[tilespmem:s26+$0x30] =	vst v6  }
0x45: {  	s29 =	sadd.s32 $0x80, s29;
	v2 =	vld.idx.msk [tilespmem:v7+s18+$0x0], $0xffff;
	[tilespmem:s26+$0xFFFFFFD0] =	vst v8  }
0x46: {  	[tilespmem:s26+$0xFFFFFFE0] =	vst v5;
	s25 =	sshll.u32 s25, $0xE  }
0x47: {  	[tilespmem:s26+$0xFFFFFFF0] =	vst v4;
	s25 =	sadd.s32 s10, s25  }
0x48: {  	[tilespmem:s26+$0x0] =	vst v3;
	s25 =	sand.u32 $0xFFFE0000, s25  }
0x49: {  	[tilespmem:s26+$0x10] =	vst v1;
	s24 =	sor.u32 s24, s25  }
0x4a: {  	[tilespmem:s26+$0x20] =	vst v0;
	s24 =	sshrl.u32 s24, $0x3  }
0x4b: {  	s25 =	simm.s32 @!p0 $0x2;
	[tilespmem:s26+$0xFFFFFFC0] =	vst v2;
	s30 =	sadd.s32 s4, s24  }
0x4c: {  	[hbm4b:s30+s15] =	stream.strided.scatter [tilespmem:s19], [sflag:$0x1], $0x1000, s16, s15, $0x38;
	[tilespmem:$0x1E700] =	vst v63  }
0x4d: {  	_ =	swait.ge @!p0 [sflag:s25], $0x1000  }
0x4e: {  	[sflag:s25] =	ssyncset.done @!p0 $0x0  }
0x4f: {  	s31 =	simm.s32 $0x1070;
	[sflag:s25] =	ssyncadd.s32 @!p0 $0xFFFFF000  }
0x50: {  	v0 =	vld [tilespmem:s31+$0x0]  }
0x51: {  	v1 =	vld [tilespmem:s31+$0xFFFFFFA0]  }
0x52: {  	v2 =	vld [tilespmem:s31+$0xFFFFFFB0]  }
0x53: {  	v3 =	vld [tilespmem:s31+$0xFFFFFFC0]  }
0x54: {  	v4 =	vld [tilespmem:s31+$0xFFFFFFD0]  }
0x55: {  	v6 =	vld [tilespmem:s31+$0xFFFFFFE0]  }
0x56: {  	v7 =	vld [tilespmem:s31+$0xFFFFFFF0]  }
0x57: {  	v8 =	vld [tilespmem:s31+$0xFFFFFF90]  }
0x58: {  	v9 =	vld.idx.msk [tilespmem:v0+s18+$0x0], $0xffff  }
0x59: {  	v10 =	vld.idx.msk [tilespmem:v1+s18+$0x0], $0xffff  }
0x5a: {  	v5 =	vld.idx.msk [tilespmem:v2+s18+$0x0], $0xffff  }
0x5b: {  	v3 =	vld.idx.msk [tilespmem:v3+s18+$0x0], $0xffff  }
0x5c: {  	v0 =	vld.idx.msk [tilespmem:v4+s18+$0x0], $0xffff  }
0x5d: {  	s25 =	simm.s32 $0x1D740;
	v1 =	vld.idx.msk [tilespmem:v6+s18+$0x0], $0xffff  }
0x5e: {  	v2 =	vld.idx.msk [tilespmem:v7+s18+$0x0], $0xffff;
	[tilespmem:s25+$0x30] =	vst v9  }
0x5f: {  	s28 =	simm.s32 $0x10F0;
	s26 =	simm.s32 $0x0;
	v4 =	vld.idx.msk [tilespmem:v8+s18+$0x0], $0xffff;
	[tilespmem:s25+$0xFFFFFFD0] =	vst v10  }
.LBB2_5:
0x60: {  	v6 =	vld [tilespmem:s28+$0x0];
	s26 =	sadd.s32 $0x80, s26;
	[tilespmem:s25+$0xFFFFFFE0] =	vst v5  }
0x61: {  	v5 =	vld [tilespmem:s28+$0xFFFFFFA0];
	p0 =	slt.u32 s26, $0xF80;
	[tilespmem:s25+$0xFFFFFFF0] =	vst v3  }
0x62: {  	v3 =	vld [tilespmem:s28+$0xFFFFFFB0];
	[tilespmem:s25+$0x0] =	vst v0  }
0x63: {  	v0 =	vld [tilespmem:s28+$0xFFFFFFC0];
	[tilespmem:s25+$0x10] =	vst v1  }
0x64: {  	v1 =	vld [tilespmem:s28+$0xFFFFFFD0];
	[tilespmem:s25+$0x20] =	vst v2  }
0x65: {  	v2 =	vld [tilespmem:s28+$0xFFFFFFE0];
	[tilespmem:s25+$0xFFFFFFC0] =	vst v4  }
0x66: {  	v4 =	vld [tilespmem:s28+$0xFFFFFFF0]  }
0x67: {  	v7 =	vld [tilespmem:s28+$0xFFFFFF90]  }
0x68: {  	v6 =	vld.idx.msk [tilespmem:v6+s18+$0x0], $0xffff  }
0x69: {  	v8 =	vld.idx.msk [tilespmem:v5+s18+$0x0], $0xffff  }
0x6a: {  	v5 =	vld.idx.msk [tilespmem:v3+s18+$0x0], $0xffff  }
.Ltmp1:
0x6b: {  	v3 =	vld.idx.msk [tilespmem:v0+s18+$0x0], $0xffff;
	(pc) =	sbr.rel @p0 .LBB2_5-.Ltmp1, $4  }
0x6c: {  	v0 =	vld.idx.msk [tilespmem:v1+s18+$0x0], $0xffff  }
0x6d: {  	s25 =	sadd.s32 $0x80, s25;
	v1 =	vld.idx.msk [tilespmem:v2+s18+$0x0], $0xffff  }
0x6e: {  	v2 =	vld.idx.msk [tilespmem:v4+s18+$0x0], $0xffff;
	[tilespmem:s25+$0x30] =	vst v6  }
0x6f: {  	s28 =	sadd.s32 $0x80, s28;
	v4 =	vld.idx.msk [tilespmem:v7+s18+$0x0], $0xffff;
	[tilespmem:s25+$0xFFFFFFD0] =	vst v8  }
0x70: {  	[tilespmem:s25+$0xFFFFFFE0] =	vst v5  }
0x71: {  	[tilespmem:s25+$0xFFFFFFF0] =	vst v3  }
0x72: {  	[tilespmem:s25+$0x0] =	vst v0  }
0x73: {  	[tilespmem:s25+$0x10] =	vst v1  }
0x74: {  	[tilespmem:s25+$0x20] =	vst v2  }
0x75: {  	s30 =	sadd.s32 s24, s11;
	[tilespmem:s25+$0xFFFFFFC0] =	vst v4  }
0x76: {  	[hbm4b:s30+s15] =	stream.strided.scatter [tilespmem:s20], [sflag:$0x2], $0x1000, s16, s15, $0x38;
	[tilespmem:$0x1E700] =	vst v63  }
0x77: {  	_ =	swait.ge [sflag:s5], $0x1000  }
0x78: {  	[sflag:s5] =	ssyncset.done $0x0  }
0x79: {  	s31 =	simm.s32 $0x2070;
	[sflag:s5] =	ssyncadd.s32 $0xFFFFF000  }
0x7a: {  	v0 =	vld [tilespmem:s31+$0x0]  }
0x7b: {  	v1 =	vld [tilespmem:s31+$0xFFFFFFA0]  }
0x7c: {  	v2 =	vld [tilespmem:s31+$0xFFFFFFB0]  }
0x7d: {  	v3 =	vld [tilespmem:s31+$0xFFFFFFC0]  }
0x7e: {  	v4 =	vld [tilespmem:s31+$0xFFFFFFD0]  }
0x7f: {  	v6 =	vld [tilespmem:s31+$0xFFFFFFE0]  }
0x80: {  	v7 =	vld [tilespmem:s31+$0xFFFFFFF0]  }
0x81: {  	v8 =	vld [tilespmem:s31+$0xFFFFFF90]  }
0x82: {  	v9 =	vld.idx.msk [tilespmem:v0+s18+$0x0], $0xffff  }
0x83: {  	v10 =	vld.idx.msk [tilespmem:v1+s18+$0x0], $0xffff  }
0x84: {  	v5 =	vld.idx.msk [tilespmem:v2+s18+$0x0], $0xffff  }
0x85: {  	v3 =	vld.idx.msk [tilespmem:v3+s18+$0x0], $0xffff  }
0x86: {  	v0 =	vld.idx.msk [tilespmem:v4+s18+$0x0], $0xffff  }
0x87: {  	s25 =	simm.s32 $0x1C740;
	v1 =	vld.idx.msk [tilespmem:v6+s18+$0x0], $0xffff  }
0x88: {  	v2 =	vld.idx.msk [tilespmem:v7+s18+$0x0], $0xffff;
	[tilespmem:s25+$0x30] =	vst v9  }
0x89: {  	s26 =	simm.s32 $0x0;
	s28 =	simm.s32 $0x20F0;
	v4 =	vld.idx.msk [tilespmem:v8+s18+$0x0], $0xffff;
	[tilespmem:s25+$0xFFFFFFD0] =	vst v10  }
.LBB2_7:
0x8a: {  	v6 =	vld [tilespmem:s28+$0x0];
	s26 =	sadd.s32 $0x80, s26;
	[tilespmem:s25+$0xFFFFFFE0] =	vst v5  }
0x8b: {  	v5 =	vld [tilespmem:s28+$0xFFFFFFA0];
	p0 =	slt.u32 s26, $0xF80;
	[tilespmem:s25+$0xFFFFFFF0] =	vst v3  }
0x8c: {  	v3 =	vld [tilespmem:s28+$0xFFFFFFB0];
	[tilespmem:s25+$0x0] =	vst v0  }
0x8d: {  	v0 =	vld [tilespmem:s28+$0xFFFFFFC0];
	[tilespmem:s25+$0x10] =	vst v1  }
0x8e: {  	v1 =	vld [tilespmem:s28+$0xFFFFFFD0];
	[tilespmem:s25+$0x20] =	vst v2  }
0x8f: {  	v2 =	vld [tilespmem:s28+$0xFFFFFFE0];
	[tilespmem:s25+$0xFFFFFFC0] =	vst v4  }
0x90: {  	v4 =	vld [tilespmem:s28+$0xFFFFFFF0]  }
0x91: {  	v7 =	vld [tilespmem:s28+$0xFFFFFF90]  }
0x92: {  	v6 =	vld.idx.msk [tilespmem:v6+s18+$0x0], $0xffff  }
0x93: {  	v8 =	vld.idx.msk [tilespmem:v5+s18+$0x0], $0xffff  }
0x94: {  	v5 =	vld.idx.msk [tilespmem:v3+s18+$0x0], $0xffff  }
.Ltmp2:
0x95: {  	v3 =	vld.idx.msk [tilespmem:v0+s18+$0x0], $0xffff;
	(pc) =	sbr.rel @p0 .LBB2_7-.Ltmp2, $4  }
0x96: {  	v0 =	vld.idx.msk [tilespmem:v1+s18+$0x0], $0xffff  }
0x97: {  	s25 =	sadd.s32 $0x80, s25;
	v1 =	vld.idx.msk [tilespmem:v2+s18+$0x0], $0xffff  }
0x98: {  	v2 =	vld.idx.msk [tilespmem:v4+s18+$0x0], $0xffff;
	[tilespmem:s25+$0x30] =	vst v6  }
0x99: {  	s28 =	sadd.s32 $0x80, s28;
	v4 =	vld.idx.msk [tilespmem:v7+s18+$0x0], $0xffff;
	[tilespmem:s25+$0xFFFFFFD0] =	vst v8  }
0x9a: {  	[tilespmem:s25+$0xFFFFFFE0] =	vst v5  }
0x9b: {  	[tilespmem:s25+$0xFFFFFFF0] =	vst v3  }
0x9c: {  	[tilespmem:s25+$0x0] =	vst v0  }
0x9d: {  	[tilespmem:s25+$0x10] =	vst v1  }
0x9e: {  	[tilespmem:s25+$0x20] =	vst v2  }
0x9f: {  	s30 =	sadd.s32 s24, s12;
	[tilespmem:s25+$0xFFFFFFC0] =	vst v4  }
0xa0: {  	[hbm4b:s30+s15] =	stream.strided.scatter [tilespmem:s19], [sflag:$0x1], $0x1000, s16, s15, $0x38;
	[tilespmem:$0x1E700] =	vst v63  }
0xa1: {  	_ =	swait.ge [sflag:s21], $0x1000  }
0xa2: {  	[sflag:s21] =	ssyncset.done $0x0  }
0xa3: {  	s31 =	simm.s32 $0x3070;
	[sflag:s21] =	ssyncadd.s32 $0xFFFFF000  }
0xa4: {  	v0 =	vld [tilespmem:s31+$0x0]  }
0xa5: {  	v1 =	vld [tilespmem:s31+$0xFFFFFFA0]  }
0xa6: {  	v2 =	vld [tilespmem:s31+$0xFFFFFFB0]  }
0xa7: {  	v3 =	vld [tilespmem:s31+$0xFFFFFFC0]  }
0xa8: {  	v4 =	vld [tilespmem:s31+$0xFFFFFFD0]  }
0xa9: {  	v6 =	vld [tilespmem:s31+$0xFFFFFFE0]  }
0xaa: {  	v7 =	vld [tilespmem:s31+$0xFFFFFFF0]  }
0xab: {  	v8 =	vld [tilespmem:s31+$0xFFFFFF90]  }
0xac: {  	v9 =	vld.idx.msk [tilespmem:v0+s18+$0x0], $0xffff  }
0xad: {  	v10 =	vld.idx.msk [tilespmem:v1+s18+$0x0], $0xffff  }
0xae: {  	v5 =	vld.idx.msk [tilespmem:v2+s18+$0x0], $0xffff  }
0xaf: {  	v3 =	vld.idx.msk [tilespmem:v3+s18+$0x0], $0xffff  }
0xb0: {  	v0 =	vld.idx.msk [tilespmem:v4+s18+$0x0], $0xffff  }
0xb1: {  	s25 =	simm.s32 $0x1D740;
	v1 =	vld.idx.msk [tilespmem:v6+s18+$0x0], $0xffff  }
0xb2: {  	v2 =	vld.idx.msk [tilespmem:v7+s18+$0x0], $0xffff;
	[tilespmem:s25+$0x30] =	vst v9  }
0xb3: {  	s26 =	simm.s32 $0x0;
	s28 =	simm.s32 $0x30F0;
	v4 =	vld.idx.msk [tilespmem:v8+s18+$0x0], $0xffff;
	[tilespmem:s25+$0xFFFFFFD0] =	vst v10  }
.LBB2_9:
0xb4: {  	v6 =	vld [tilespmem:s28+$0x0];
	s26 =	sadd.s32 $0x80, s26;
	[tilespmem:s25+$0xFFFFFFE0] =	vst v5  }
0xb5: {  	v5 =	vld [tilespmem:s28+$0xFFFFFFA0];
	p0 =	slt.u32 s26, $0xF80;
	[tilespmem:s25+$0xFFFFFFF0] =	vst v3  }
0xb6: {  	v3 =	vld [tilespmem:s28+$0xFFFFFFB0];
	[tilespmem:s25+$0x0] =	vst v0  }
0xb7: {  	v0 =	vld [tilespmem:s28+$0xFFFFFFC0];
	[tilespmem:s25+$0x10] =	vst v1  }
0xb8: {  	v1 =	vld [tilespmem:s28+$0xFFFFFFD0];
	[tilespmem:s25+$0x20] =	vst v2  }
0xb9: {  	v2 =	vld [tilespmem:s28+$0xFFFFFFE0];
	[tilespmem:s25+$0xFFFFFFC0] =	vst v4  }
0xba: {  	v4 =	vld [tilespmem:s28+$0xFFFFFFF0]  }
0xbb: {  	v7 =	vld [tilespmem:s28+$0xFFFFFF90]  }
0xbc: {  	v6 =	vld.idx.msk [tilespmem:v6+s18+$0x0], $0xffff  }
0xbd: {  	v8 =	vld.idx.msk [tilespmem:v5+s18+$0x0], $0xffff  }
0xbe: {  	v5 =	vld.idx.msk [tilespmem:v3+s18+$0x0], $0xffff  }
.Ltmp3:
0xbf: {  	v3 =	vld.idx.msk [tilespmem:v0+s18+$0x0], $0xffff;
	(pc) =	sbr.rel @p0 .LBB2_9-.Ltmp3, $4  }
0xc0: {  	v0 =	vld.idx.msk [tilespmem:v1+s18+$0x0], $0xffff  }
0xc1: {  	s25 =	sadd.s32 $0x80, s25;
	v1 =	vld.idx.msk [tilespmem:v2+s18+$0x0], $0xffff  }
0xc2: {  	v2 =	vld.idx.msk [tilespmem:v4+s18+$0x0], $0xffff;
	[tilespmem:s25+$0x30] =	vst v6  }
0xc3: {  	s28 =	sadd.s32 $0x80, s28;
	v4 =	vld.idx.msk [tilespmem:v7+s18+$0x0], $0xffff;
	[tilespmem:s25+$0xFFFFFFD0] =	vst v8  }
0xc4: {  	[tilespmem:s25+$0xFFFFFFE0] =	vst v5;
	s23 =	sadd.s32 $0x1, s23  }
0xc5: {  	[tilespmem:s25+$0xFFFFFFF0] =	vst v3;
	p0 =	sne.s32 s23, s7  }
.Ltmp4:
0xc6: {  	[tilespmem:s25+$0x0] =	vst v0;
	(pc) =	sbr.rel @p0 .LBB2_2-.Ltmp4, $4  }
0xc7: {  	[tilespmem:s25+$0x10] =	vst v1  }
0xc8: {  	[tilespmem:s25+$0x20] =	vst v2  }
0xc9: {  	s24 =	sadd.s32 s24, s13;
	[tilespmem:s25+$0xFFFFFFC0] =	vst v4  }
0xca: {  	[hbm4b:s24+s15] =	stream.strided.scatter [tilespmem:s20], [sflag:$0x2], $0x1000, s16, s15, $0x38;
	[tilespmem:$0x1E700] =	vst v63  }
0xcb: {  	s22 =	sadd.s32 $0x1, s22  }
0xcc: {  	_ =	swait.ge [sflag:s5], $0x1000;
	p0 =	sne.s32 s22, s14  }
.Ltmp5:
0xcd: {  	[sflag:s5] =	ssyncset.done $0x0;
	(pc) =	sbr.rel @p0 .LBB2_1-.Ltmp5, $4  }
0xce: {  	[sflag:s5] =	ssyncadd.s32 $0xFFFFF000  }
0xcf: {  	_ =	swait.ge [sflag:s21], $0x1000  }
0xd0: {  	[sflag:s21] =	ssyncset.done $0x0  }
0xd1: {  	[sflag:s21] =	ssyncadd.s32 $0xFFFFF000  }
0xd2: {  	_ =	sfence.sel $0x180000  }
0xd3: {  	[bflag:$0x0] =	sbarrier.arrive $0xFFFF  }
0xd4: {  	p0 =	sne.s32 s0, $0x0;
	_ =	strace $0x90000047  }
0xd5: {  	s0 =	sadd.s32 @!p0 $0x100000, s2;
	[bflag:$0x2] =	sbarrier.arrive $0xFFFF  }
0xd6: {  	[sflag:s0] =	ssyncadd.tile.s32 @!p0 $0x1;
	_ =	shalt  }
.Lfunc_end2:
_tile_overlayer_lowered:
.L_overlay_start_2:
0xd7: {  	(tag) =	ssettag $0x2  }
0xd8: {  	s0 =	rddreg [dreg:$0x0];
	s2 =	stileid.u32  }
0xd9: {  	s1 =	rddreg [dreg:$0x1];
	p0 =	sne.s32 s2, $0x0  }
0xda: {  	s3 =	rddreg [dreg:$0x2];
	[bflag:$0x3] =	sbarrier.arrive $0xFFFF;
	s2 =	simm.s32 @!p0 $0x1C03  }
0xdb: {  	[timem:s3], [sflag:s2] =	dma.local @!p0 [hbm:s0], s1  }
0xdc: {  	s0 =	simm.s32 @!p0 $0x3  }
0xdd: {  	_ =	swait.ge @!p0 [sflag:s0], s1  }
0xde: {  	s1 =	ssub.s32 @!p0 $0x0, s1;
	[sflag:s0] =	ssyncset.done @!p0 $0x0  }
0xdf: {  	[sflag:s0] =	ssyncadd.s32 @!p0 s1  }
0xe0: {  	[bflag:$0x3] =	sbarrier.arrive $0xFFFF  }
0xe1: {  	_ =	shalt  }

</sc_bundles>
